<compile_context>
chip_gen: v7x
topology: tpu7x:2x2x1
jax: 0.10.2.dev20260603
libtpu: 0.0.44.dev20260713+nightly
codegen_flags: <defaults>
</compile_context>

<pallas_src>
import functools

import jax
import jax.numpy as jnp
from jax import lax
from jax.experimental import pallas as pl
from jax.experimental.pallas import tpu as pltpu
from jax.experimental.pallas import tpu_sc as plsc

_L = 16


def _make_sc_kernels(n_nodes, n_edges, nc, ns):
    nw = nc * ns
    nchunk = n_edges // 128
    wch = -(-nchunk // nw) + 1
    zvec = n_nodes // _L

    mesh = plsc.VectorSubcoreMesh(core_axis_name="c", subcore_axis_name="s")
    out_t = jax.ShapeDtypeStruct((nw, n_nodes), jnp.float32)
    cparams = pltpu.CompilerParams(needs_layout_passes=False)

    def chunk_bounds(wid):
        start = (nchunk * wid) // nw
        end = (nchunk * (wid + 1)) // nw
        base = jnp.minimum(start, nchunk - wch)
        return start, end, base

    def zero_acc(acc_v):
        zero = jnp.zeros((_L,), jnp.float32)

        def zf(k, _):
            for j in range(8):
                acc_v[pl.ds((k * 8 + j) * _L, _L)] = zero
            return 0
        lax.fori_loop(0, zvec // 8, zf, 0)
        for j in range(zvec - (zvec // 8) * 8):
            acc_v[pl.ds(((zvec // 8) * 8 + j) * _L, _L)] = zero

    @functools.partial(
        pl.kernel,
        out_type=out_t,
        mesh=mesh,
        scratch_types=[
            pltpu.VMEM((2, wch * 128), jnp.int32),
            pltpu.VMEM((n_nodes,), jnp.float32),
            pltpu.SemaphoreType.DMA,
        ],
        compiler_params=cparams,
    )
    def deg_kernel(edge_hbm, out_hbm, ed_v, acc_v, sem):
        c = lax.axis_index("c")
        s = lax.axis_index("s")
        wid = s * nc + c
        start, end, base = chunk_bounds(wid)
        cp = pltpu.async_copy(
            edge_hbm.at[:, pl.ds(base * 128, wch * 128)], ed_v, sem)
        zero_acc(acc_v)
        cp.wait()
        ones = jnp.ones((_L,), jnp.float32)
        off0 = (start - base) * 128

        @plsc.parallel_loop(0, (end - start) * 128, _L, unroll=8)
        def scat(k):
            iv = ed_v[1, pl.ds(off0 + k, _L)]
            plsc.addupdate_scatter(acc_v, [iv], ones)
        pltpu.sync_copy(acc_v, out_hbm.at[wid])

    @functools.partial(
        pl.kernel,
        out_type=out_t,
        mesh=mesh,
        scratch_types=[
            pltpu.VMEM((2, wch * 128), jnp.int32),
            pltpu.VMEM((n_nodes,), jnp.float32),
            pltpu.VMEM((n_nodes,), jnp.float32),
            pltpu.SemaphoreType.DMA,
        ],
        compiler_params=cparams,
    )
    def edge_kernel(edge_hbm, t_hbm, out_hbm, ed_v, t_v, acc_v, sem):
        c = lax.axis_index("c")
        s = lax.axis_index("s")
        wid = s * nc + c
        start, end, base = chunk_bounds(wid)
        cp1 = pltpu.async_copy(
            edge_hbm.at[:, pl.ds(base * 128, wch * 128)], ed_v, sem)
        cp2 = pltpu.async_copy(t_hbm, t_v, sem)
        zero_acc(acc_v)
        cp1.wait()
        cp2.wait()
        off0 = (start - base) * 128

        @plsc.parallel_loop(0, (end - start) * 128, _L, unroll=8)
        def body(k):
            sv = ed_v[0, pl.ds(off0 + k, _L)]
            dv = ed_v[1, pl.ds(off0 + k, _L)]
            vals = plsc.load_gather(t_v, [sv])
            plsc.addupdate_scatter(acc_v, [dv], vals)
        pltpu.sync_copy(acc_v, out_hbm.at[wid])

    return deg_kernel, edge_kernel


def _s_body(state_ref, w1_ref, w2_ref, s_ref):
    w_row = lax.dot_general(w2_ref[...], w1_ref[...],
                            (((0,), (1,)), ((), ())),
                            preferred_element_type=jnp.float32)
    s_row = lax.dot_general(w_row, state_ref[...],
                            (((1,), (1,)), ((), ())),
                            preferred_element_type=jnp.float32)
    s_ref[...] = s_row[0]


def _t_body(s_ref, cnt_ref, t_ref, dinv_ref):
    cnt = jnp.sum(cnt_ref[...], axis=0)
    dinv = lax.rsqrt(cnt + 1.0)
    t_ref[...] = dinv * s_ref[...]
    dinv_ref[...] = dinv


def _final_body(acc_ref, t_ref, dinv_ref, b1_ref, w2_ref, b2_ref, out_ref):
    acc = jnp.sum(acc_ref[...], axis=0)
    cconst = jnp.sum(b1_ref[...] * w2_ref[...]) + jnp.sum(b2_ref[...])
    out_ref[...] = dinv_ref[...] * (acc + t_ref[...]) + cconst


def kernel(state, edge_index, W1, b1, W2, b2):
    n_nodes, _ = state.shape
    n_edges = edge_index.shape[1]
    info = plsc.get_sparse_core_info()
    nc, ns = info.num_cores, info.num_subcores

    deg_k, edge_k = _make_sc_kernels(n_nodes, n_edges, nc, ns)

    cnt32 = deg_k(edge_index)

    s = pl.pallas_call(
        _s_body,
        out_shape=jax.ShapeDtypeStruct((n_nodes,), jnp.float32),
    )(state, W1, W2)

    t, dinv = pl.pallas_call(
        _t_body,
        out_shape=[jax.ShapeDtypeStruct((n_nodes,), jnp.float32)] * 2,
    )(s, cnt32)

    acc32 = edge_k(edge_index, t)

    out = pl.pallas_call(
        _final_body,
        out_shape=jax.ShapeDtypeStruct((n_nodes,), jnp.float32),
    )(acc32, t, dinv, b1, W2[:, 0], b2)
    return out.reshape(n_nodes, 1)

# --- scband reference (transcript-rebuilt; emitter-appended) ---
"""Pipeline reference for scband-critic-gcn-36094905155711 (READ-ONLY COPY).

The authoritative reference and input builder live on the scoring server;
editing this copy changes nothing except your own understanding.
"""

import jax, jax.numpy as jnp
import numpy as np

N = 10000
E = 320000
D = 128
H = 128


def setup_inputs(seed: int = 0) -> dict:
    key = jax.random.key(seed)
    ks = jax.random.split(key, 6)
    state = jax.random.normal(ks[0], (N, D), dtype=jnp.float32)
    edge_index = jax.random.randint(ks[1], (2, E), 0, N, dtype=jnp.int32)
    # GCNConv gcn1 parameters (glorot-ish init)
    W1 = jax.random.normal(ks[2], (D, H), dtype=jnp.float32) * (1.0 / np.sqrt(D))
    b1 = jnp.zeros((H,), dtype=jnp.float32)
    # final linear head (hidden_dim -> 1)
    W2 = jax.random.normal(ks[3], (H, 1), dtype=jnp.float32) * (1.0 / np.sqrt(H))
    b2 = jnp.zeros((1,), dtype=jnp.float32)
    return {"state": state, "edge_index": edge_index, "W1": W1, "b1": b1, "W2": W2, "b2": b2}


def _gcn_conv(x, edge_index, W, b):
    num_nodes = x.shape[0]
    src = edge_index[0]
    dst = edge_index[1]
    # add self-loops (torch_geometric GCNConv default)
    loop = jnp.arange(num_nodes, dtype=src.dtype)
    src = jnp.concatenate([src, loop])
    dst = jnp.concatenate([dst, loop])
    # symmetric normalization D^{-1/2} (A+I) D^{-1/2}
    deg = jnp.zeros((num_nodes,), dtype=x.dtype).at[dst].add(1.0)
    dinv = jnp.where(deg > 0, jax.lax.rsqrt(jnp.maximum(deg, 1.0)), 0.0)
    norm = dinv[src] * dinv[dst]
    h = x @ W
    msg = h[src] * norm[:, None]
    out = jax.ops.segment_sum(msg, dst, num_segments=num_nodes)
    return out + b


def reference(state, edge_index, W1, b1, W2, b2):
    # state is already [N, d]; torch code reshapes to (shape[0], shape[1])
    state = jnp.reshape(state, (state.shape[0], state.shape[1]))
    x = _gcn_conv(state, edge_index, W1, b1)
    # model_sequence (hidden_dim -> 1) linear head
    x = x @ W2 + b2
    return x

if __name__ == "__main__":
    import jax
    _d = setup_inputs()
    print(jax.jit(kernel)(*tuple(_d.values())))

</pallas_src>

<mosaic_0001>
#map = affine_map<(d0, d1) -> (0, 0)>
module attributes {stable_mosaic.version = 14 : i64} {
  func.func @deg_kernel(%arg0: i32, %arg1: i32, %arg2: memref<2x320000xi32, #tpu.memory_space<hbm>>, %arg3: memref<32x10000xf32, #tpu.memory_space<hbm>>, %arg4: memref<2x10240xi32, #tpu.memory_space<vmem>>, %arg5: memref<10000xf32, #tpu.memory_space<vmem>>, %arg6: memref<!tpu.dma_semaphore, #tpu.memory_space<semaphore_mem>>) attributes {dimension_semantics = [#tpu.dimension_semantics<core_parallel>, #tpu.dimension_semantics<subcore_parallel>], iteration_bounds = array<i64: 2, 16>, scalar_prefetch = 0 : i64, scratch_operands = 3 : i64, tpu.core_type = #tpu.core_type<sc_vector_subcore>, window_params = [{transform_indices = #map}, {transform_indices = #map}]} {
    %mul3A = arith.constant 2 : i32
    %mul3A_0 = arith.muli %arg1, %mul3A : i32
    %add3A = arith.addi %mul3A_0, %arg0 : i32
    %mul3A_1 = arith.constant 2500 : i32
    %mul3A_2 = arith.muli %mul3A_1, %add3A : i32
    %jit3A = arith.constant 32 : i32
    %div3A = arith.divsi %mul3A_2, %jit3A : i32
    %sign3A = arith.constant 0 : i32
    %sign3A_3 = arith.cmpi sgt, %mul3A_2, %sign3A : i32
    %sign3A_4 = arith.extui %sign3A_3 : i1 to i32
    %sign3A_5 = arith.constant 0 : i32
    %sign3A_6 = arith.cmpi slt, %mul3A_2, %sign3A_5 : i32
    %sign3A_7 = arith.extui %sign3A_6 : i1 to i32
    %sign3A_8 = arith.subi %sign3A_4, %sign3A_7 : i32
    %sign3A_9 = arith.constant 0 : i32
    %sign3A_10 = arith.cmpi sgt, %jit3A, %sign3A_9 : i32
    %sign3A_11 = arith.extui %sign3A_10 : i1 to i32
    %sign3A_12 = arith.constant 0 : i32
    %sign3A_13 = arith.cmpi slt, %jit3A, %sign3A_12 : i32
    %sign3A_14 = arith.extui %sign3A_13 : i1 to i32
    %sign3A_15 = arith.subi %sign3A_11, %sign3A_14 : i32
    %ne3A = arith.cmpi ne, %sign3A_8, %sign3A_15 : i32
    %rem3A = arith.remsi %mul3A_2, %jit3A : i32
    %ne3A_16 = arith.constant 0 : i32
    %ne3A_17 = arith.cmpi ne, %rem3A, %ne3A_16 : i32
    %and3A = arith.andi %ne3A, %ne3A_17 : i1
    %sub3A = arith.constant 1 : i32
    %sub3A_18 = arith.subi %div3A, %sub3A : i32
    %select_n3A = arith.select %and3A, %sub3A_18, %div3A : i32
    %add3A_19 = arith.constant 1 : i32
    %add3A_20 = arith.addi %add3A, %add3A_19 : i32
    %mul3A_21 = arith.constant 2500 : i32
    %mul3A_22 = arith.muli %mul3A_21, %add3A_20 : i32
    %jit3A_23 = arith.constant 32 : i32
    %div3A_24 = arith.divsi %mul3A_22, %jit3A_23 : i32
    %sign3A_25 = arith.constant 0 : i32
    %sign3A_26 = arith.cmpi sgt, %mul3A_22, %sign3A_25 : i32
    %sign3A_27 = arith.extui %sign3A_26 : i1 to i32
    %sign3A_28 = arith.constant 0 : i32
    %sign3A_29 = arith.cmpi slt, %mul3A_22, %sign3A_28 : i32
    %sign3A_30 = arith.extui %sign3A_29 : i1 to i32
    %sign3A_31 = arith.subi %sign3A_27, %sign3A_30 : i32
    %sign3A_32 = arith.constant 0 : i32
    %sign3A_33 = arith.cmpi sgt, %jit3A_23, %sign3A_32 : i32
    %sign3A_34 = arith.extui %sign3A_33 : i1 to i32
    %sign3A_35 = arith.constant 0 : i32
    %sign3A_36 = arith.cmpi slt, %jit3A_23, %sign3A_35 : i32
    %sign3A_37 = arith.extui %sign3A_36 : i1 to i32
    %sign3A_38 = arith.subi %sign3A_34, %sign3A_37 : i32
    %ne3A_39 = arith.cmpi ne, %sign3A_31, %sign3A_38 : i32
    %rem3A_40 = arith.remsi %mul3A_22, %jit3A_23 : i32
    %ne3A_41 = arith.constant 0 : i32
    %ne3A_42 = arith.cmpi ne, %rem3A_40, %ne3A_41 : i32
    %and3A_43 = arith.andi %ne3A_39, %ne3A_42 : i1
    %sub3A_44 = arith.constant 1 : i32
    %sub3A_45 = arith.subi %div3A_24, %sub3A_44 : i32
    %select_n3A_46 = arith.select %and3A_43, %sub3A_45, %div3A_24 : i32
    %min3A = arith.constant 2420 : i32
    %min3A_47 = arith.minsi %select_n3A, %min3A : i32
    %mul3A_48 = arith.constant 128 : i32
    %mul3A_49 = arith.muli %min3A_47, %mul3A_48 : i32
    %dma_start3A = arith.constant 0 : i32
    %dma_start3A_50 = tpu.memref_slice %arg2[%dma_start3A, %mul3A_49] : memref<2x320000xi32, #tpu.memory_space<hbm>> -> memref<2x10240xi32, #tpu.memory_space<hbm>>
    %dma_start3A_51 = arith.constant 0 : i32
    %dma_start3A_52 = tpu.memref_slice %arg2[%dma_start3A_51, %mul3A_49] : memref<2x320000xi32, #tpu.memory_space<hbm>> -> memref<2x10240xi32, #tpu.memory_space<hbm>>
    tpu.enqueue_dma source(%dma_start3A_52 : memref<2x10240xi32, #tpu.memory_space<hbm>>) target(%arg4 : memref<2x10240xi32, #tpu.memory_space<vmem>>) target_semaphore(%arg6 : memref<!tpu.dma_semaphore, #tpu.memory_space<semaphore_mem>>)
    %broadcast_in_dim3A = arith.constant 0.000000e+00 : f32
    %broadcast_in_dim3A_53 = vector.broadcast %broadcast_in_dim3A : f32 to vector<16xf32>
    %scan3A = arith.constant 0 : i32
    %scan3A_54 = arith.constant 0 : i32
    %scan3A_55 = arith.constant 78 : i32
    %scan3A_56 = arith.addi %scan3A_54, %scan3A_55 : i32
    %scan3A_57 = arith.constant 1 : i32
    %scan3A_58 = scf.for %scan3A_73 = %scan3A_54 to %scan3A_56 step %scan3A_57 iter_args(%scan3A_74 = %scan3A) -> (i32)  : i32 {
      %mul3A_75 = arith.constant 8 : i32
      %mul3A_76 = arith.muli %scan3A_73, %mul3A_75 : i32
      %add3A_77 = arith.constant 0 : i32
      %add3A_78 = arith.addi %mul3A_76, %add3A_77 : i32
      %mul3A_79 = arith.constant 16 : i32
      %mul3A_80 = arith.muli %add3A_78, %mul3A_79 : i32
      %swap3A_81 = arith.index_cast %mul3A_80 : i32 to index
      %swap3A_82 = tpu.vector_load %arg5[%swap3A_81] {strides = array<i32>} : memref<10000xf32, #tpu.memory_space<vmem>>, vector<16xf32>,
      tpu.vector_store %arg5[%swap3A_81], %broadcast_in_dim3A_53 {strides = array<i32>} : memref<10000xf32, #tpu.memory_space<vmem>>, vector<16xf32>,
      %mul3A_83 = arith.constant 8 : i32
      %mul3A_84 = arith.muli %scan3A_73, %mul3A_83 : i32
      %add3A_85 = arith.constant 1 : i32
      %add3A_86 = arith.addi %mul3A_84, %add3A_85 : i32
      %mul3A_87 = arith.constant 16 : i32
      %mul3A_88 = arith.muli %add3A_86, %mul3A_87 : i32
      %swap3A_89 = arith.index_cast %mul3A_88 : i32 to index
      %swap3A_90 = tpu.vector_load %arg5[%swap3A_89] {strides = array<i32>} : memref<10000xf32, #tpu.memory_space<vmem>>, vector<16xf32>,
      tpu.vector_store %arg5[%swap3A_89], %broadcast_in_dim3A_53 {strides = array<i32>} : memref<10000xf32, #tpu.memory_space<vmem>>, vector<16xf32>,
      %mul3A_91 = arith.constant 8 : i32
      %mul3A_92 = arith.muli %scan3A_73, %mul3A_91 : i32
      %add3A_93 = arith.constant 2 : i32
      %add3A_94 = arith.addi %mul3A_92, %add3A_93 : i32
      %mul3A_95 = arith.constant 16 : i32
      %mul3A_96 = arith.muli %add3A_94, %mul3A_95 : i32
      %swap3A_97 = arith.index_cast %mul3A_96 : i32 to index
      %swap3A_98 = tpu.vector_load %arg5[%swap3A_97] {strides = array<i32>} : memref<10000xf32, #tpu.memory_space<vmem>>, vector<16xf32>,
      tpu.vector_store %arg5[%swap3A_97], %broadcast_in_dim3A_53 {strides = array<i32>} : memref<10000xf32, #tpu.memory_space<vmem>>, vector<16xf32>,
      %mul3A_99 = arith.constant 8 : i32
      %mul3A_100 = arith.muli %scan3A_73, %mul3A_99 : i32
      %add3A_101 = arith.constant 3 : i32
      %add3A_102 = arith.addi %mul3A_100, %add3A_101 : i32
      %mul3A_103 = arith.constant 16 : i32
      %mul3A_104 = arith.muli %add3A_102, %mul3A_103 : i32
      %swap3A_105 = arith.index_cast %mul3A_104 : i32 to index
      %swap3A_106 = tpu.vector_load %arg5[%swap3A_105] {strides = array<i32>} : memref<10000xf32, #tpu.memory_space<vmem>>, vector<16xf32>,
      tpu.vector_store %arg5[%swap3A_105], %broadcast_in_dim3A_53 {strides = array<i32>} : memref<10000xf32, #tpu.memory_space<vmem>>, vector<16xf32>,
      %mul3A_107 = arith.constant 8 : i32
      %mul3A_108 = arith.muli %scan3A_73, %mul3A_107 : i32
      %add3A_109 = arith.constant 4 : i32
      %add3A_110 = arith.addi %mul3A_108, %add3A_109 : i32
      %mul3A_111 = arith.constant 16 : i32
      %mul3A_112 = arith.muli %add3A_110, %mul3A_111 : i32
      %swap3A_113 = arith.index_cast %mul3A_112 : i32 to index
      %swap3A_114 = tpu.vector_load %arg5[%swap3A_113] {strides = array<i32>} : memref<10000xf32, #tpu.memory_space<vmem>>, vector<16xf32>,
      tpu.vector_store %arg5[%swap3A_113], %broadcast_in_dim3A_53 {strides = array<i32>} : memref<10000xf32, #tpu.memory_space<vmem>>, vector<16xf32>,
      %mul3A_115 = arith.constant 8 : i32
      %mul3A_116 = arith.muli %scan3A_73, %mul3A_115 : i32
      %add3A_117 = arith.constant 5 : i32
      %add3A_118 = arith.addi %mul3A_116, %add3A_117 : i32
      %mul3A_119 = arith.constant 16 : i32
      %mul3A_120 = arith.muli %add3A_118, %mul3A_119 : i32
      %swap3A_121 = arith.index_cast %mul3A_120 : i32 to index
      %swap3A_122 = tpu.vector_load %arg5[%swap3A_121] {strides = array<i32>} : memref<10000xf32, #tpu.memory_space<vmem>>, vector<16xf32>,
      tpu.vector_store %arg5[%swap3A_121], %broadcast_in_dim3A_53 {strides = array<i32>} : memref<10000xf32, #tpu.memory_space<vmem>>, vector<16xf32>,
      %mul3A_123 = arith.constant 8 : i32
      %mul3A_124 = arith.muli %scan3A_73, %mul3A_123 : i32
      %add3A_125 = arith.constant 6 : i32
      %add3A_126 = arith.addi %mul3A_124, %add3A_125 : i32
      %mul3A_127 = arith.constant 16 : i32
      %mul3A_128 = arith.muli %add3A_126, %mul3A_127 : i32
      %swap3A_129 = arith.index_cast %mul3A_128 : i32 to index
      %swap3A_130 = tpu.vector_load %arg5[%swap3A_129] {strides = array<i32>} : memref<10000xf32, #tpu.memory_space<vmem>>, vector<16xf32>,
      tpu.vector_store %arg5[%swap3A_129], %broadcast_in_dim3A_53 {strides = array<i32>} : memref<10000xf32, #tpu.memory_space<vmem>>, vector<16xf32>,
      %mul3A_131 = arith.constant 8 : i32
      %mul3A_132 = arith.muli %scan3A_73, %mul3A_131 : i32
      %add3A_133 = arith.constant 7 : i32
      %add3A_134 = arith.addi %mul3A_132, %add3A_133 : i32
      %mul3A_135 = arith.constant 16 : i32
      %mul3A_136 = arith.muli %add3A_134, %mul3A_135 : i32
      %swap3A_137 = arith.index_cast %mul3A_136 : i32 to index
      %swap3A_138 = tpu.vector_load %arg5[%swap3A_137] {strides = array<i32>} : memref<10000xf32, #tpu.memory_space<vmem>>, vector<16xf32>,
      tpu.vector_store %arg5[%swap3A_137], %broadcast_in_dim3A_53 {strides = array<i32>} : memref<10000xf32, #tpu.memory_space<vmem>>, vector<16xf32>,
      %scan3A_139 = arith.constant 0 : i32
      scf.yield %scan3A_139 : i32
    }
    %scan3A_59 = arith.constant 78 : i32
    %swap3A = arith.constant 9984 : index
    %swap3A_60 = tpu.vector_load %arg5[%swap3A] {strides = array<i32>} : memref<10000xf32, #tpu.memory_space<vmem>>, vector<16xf32>,
    tpu.vector_store %arg5[%swap3A], %broadcast_in_dim3A_53 {strides = array<i32>} : memref<10000xf32, #tpu.memory_space<vmem>>, vector<16xf32>,
    %dma_wait3A = arith.constant 0 : i32
    %dma_wait3A_61 = tpu.memref_slice %arg2[%dma_wait3A, %mul3A_49] : memref<2x320000xi32, #tpu.memory_space<hbm>> -> memref<2x10240xi32, #tpu.memory_space<hbm>>
    %dma_wait3A_62 = arith.constant 0 : i32
    %dma_wait3A_63 = tpu.memref_slice %arg2[%dma_wait3A_62, %mul3A_49] : memref<2x320000xi32, #tpu.memory_space<hbm>> -> memref<2x10240xi32, #tpu.memory_space<hbm>>
    tpu.wait_dma2 semaphore(%arg6 : memref<!tpu.dma_semaphore, #tpu.memory_space<semaphore_mem>>) src(%dma_wait3A_63 : memref<2x10240xi32, #tpu.memory_space<hbm>>) dst(%arg4 : memref<2x10240xi32, #tpu.memory_space<vmem>>)
    %broadcast_in_dim3A_64 = arith.constant 1.000000e+00 : f32
    %broadcast_in_dim3A_65 = vector.broadcast %broadcast_in_dim3A_64 : f32 to vector<16xf32>
    %sub3A_66 = arith.subi %select_n3A, %min3A_47 : i32
    %mul3A_67 = arith.constant 128 : i32
    %mul3A_68 = arith.muli %sub3A_66, %mul3A_67 : i32
    %sub3A_69 = arith.subi %select_n3A_46, %select_n3A : i32
    %mul3A_70 = arith.constant 128 : i32
    %mul3A_71 = arith.muli %sub3A_69, %mul3A_70 : i32
    %parallel_loop3A = arith.constant 0 : i32
    %parallel_loop3A_72 = arith.constant 16 : i32
    scf.for %parallel_loop3A_73 = %parallel_loop3A to %mul3A_71 step %parallel_loop3A_72  : i32 {
      %parallel_loop3A_74 = arith.addi %mul3A_68, %parallel_loop3A_73 : i32
      %parallel_loop3A_75 = arith.constant 1 : i32
      %parallel_loop3A_76 = arith.index_cast %parallel_loop3A_75 : i32 to index
      %parallel_loop3A_77 = arith.index_cast %parallel_loop3A_74 : i32 to index
      %parallel_loop3A_78 = tpu.vector_load %arg4[%parallel_loop3A_76, %parallel_loop3A_77] {strides = array<i32>} : memref<2x10240xi32, #tpu.memory_space<vmem>>, vector<16xi32>,
      tpu.vector_store_idx %arg5[%parallel_loop3A_78], %broadcast_in_dim3A_65 {add = true} : memref<10000xf32, #tpu.memory_space<vmem>>[vector<16xi32>], vector<16xf32>,
    } {sc.loop_unroll_factor = 8 : i64, sc.parallel_access}
    "tpu.region"() ({
      %run_scoped3A = tpu.sem_alloc : memref<!tpu.dma_semaphore, #tpu.memory_space<semaphore_mem>>
      %dma_start3A_73 = arith.constant 0 : i32
      %dma_start3A_74 = tpu.memref_slice %arg3[%add3A, %dma_start3A_73] : memref<32x10000xf32, #tpu.memory_space<hbm>> -> memref<1x10000xf32, #tpu.memory_space<hbm>>
      %dma_start3A_75 = tpu.memref_squeeze %dma_start3A_74 : memref<1x10000xf32, #tpu.memory_space<hbm>> -> memref<10000xf32, #tpu.memory_space<hbm>>
      %dma_start3A_76 = arith.constant 0 : i32
      %dma_start3A_77 = tpu.memref_slice %arg3[%add3A, %dma_start3A_76] : memref<32x10000xf32, #tpu.memory_space<hbm>> -> memref<1x10000xf32, #tpu.memory_space<hbm>>
      %dma_start3A_78 = tpu.memref_squeeze %dma_start3A_77 : memref<1x10000xf32, #tpu.memory_space<hbm>> -> memref<10000xf32, #tpu.memory_space<hbm>>
      tpu.enqueue_dma source(%arg5 : memref<10000xf32, #tpu.memory_space<vmem>>) target(%dma_start3A_78 : memref<10000xf32, #tpu.memory_space<hbm>>) target_semaphore(%run_scoped3A : memref<!tpu.dma_semaphore, #tpu.memory_space<semaphore_mem>>)
      %dma_wait3A_79 = arith.constant 0 : i32
      %dma_wait3A_80 = tpu.memref_slice %arg3[%add3A, %dma_wait3A_79] : memref<32x10000xf32, #tpu.memory_space<hbm>> -> memref<1x10000xf32, #tpu.memory_space<hbm>>
      %dma_wait3A_81 = tpu.memref_squeeze %dma_wait3A_80 : memref<1x10000xf32, #tpu.memory_space<hbm>> -> memref<10000xf32, #tpu.memory_space<hbm>>
      %dma_wait3A_82 = arith.constant 0 : i32
      %dma_wait3A_83 = tpu.memref_slice %arg3[%add3A, %dma_wait3A_82] : memref<32x10000xf32, #tpu.memory_space<hbm>> -> memref<1x10000xf32, #tpu.memory_space<hbm>>
      %dma_wait3A_84 = tpu.memref_squeeze %dma_wait3A_83 : memref<1x10000xf32, #tpu.memory_space<hbm>> -> memref<10000xf32, #tpu.memory_space<hbm>>
      tpu.wait_dma2 semaphore(%run_scoped3A : memref<!tpu.dma_semaphore, #tpu.memory_space<semaphore_mem>>) src(%arg5 : memref<10000xf32, #tpu.memory_space<vmem>>) dst(%dma_wait3A_84 : memref<10000xf32, #tpu.memory_space<hbm>>)
      tpu.yield
    }) : () -> ()
    return
  }
}

#map = affine_map<(d0, d1) -> (0, 0)>
#map1 = affine_map<(d0, d1) -> (0)>
module attributes {stable_mosaic.version = 14 : i64} {
  func.func @edge_kernel(%arg0: i32, %arg1: i32, %arg2: memref<2x320000xi32, #tpu.memory_space<hbm>>, %arg3: memref<10000xf32, #tpu.memory_space<hbm>>, %arg4: memref<32x10000xf32, #tpu.memory_space<hbm>>, %arg5: memref<2x10240xi32, #tpu.memory_space<vmem>>, %arg6: memref<10000xf32, #tpu.memory_space<vmem>>, %arg7: memref<10000xf32, #tpu.memory_space<vmem>>, %arg8: memref<!tpu.dma_semaphore, #tpu.memory_space<semaphore_mem>>) attributes {dimension_semantics = [#tpu.dimension_semantics<core_parallel>, #tpu.dimension_semantics<subcore_parallel>], iteration_bounds = array<i64: 2, 16>, scalar_prefetch = 0 : i64, scratch_operands = 4 : i64, tpu.core_type = #tpu.core_type<sc_vector_subcore>, window_params = [{transform_indices = #map}, {transform_indices = #map1}, {transform_indices = #map}]} {
    %mul3A = arith.constant 2 : i32
    %mul3A_0 = arith.muli %arg1, %mul3A : i32
    %add3A = arith.addi %mul3A_0, %arg0 : i32
    %mul3A_1 = arith.constant 2500 : i32
    %mul3A_2 = arith.muli %mul3A_1, %add3A : i32
    %jit3A = arith.constant 32 : i32
    %div3A = arith.divsi %mul3A_2, %jit3A : i32
    %sign3A = arith.constant 0 : i32
    %sign3A_3 = arith.cmpi sgt, %mul3A_2, %sign3A : i32
    %sign3A_4 = arith.extui %sign3A_3 : i1 to i32
    %sign3A_5 = arith.constant 0 : i32
    %sign3A_6 = arith.cmpi slt, %mul3A_2, %sign3A_5 : i32
    %sign3A_7 = arith.extui %sign3A_6 : i1 to i32
    %sign3A_8 = arith.subi %sign3A_4, %sign3A_7 : i32
    %sign3A_9 = arith.constant 0 : i32
    %sign3A_10 = arith.cmpi sgt, %jit3A, %sign3A_9 : i32
    %sign3A_11 = arith.extui %sign3A_10 : i1 to i32
    %sign3A_12 = arith.constant 0 : i32
    %sign3A_13 = arith.cmpi slt, %jit3A, %sign3A_12 : i32
    %sign3A_14 = arith.extui %sign3A_13 : i1 to i32
    %sign3A_15 = arith.subi %sign3A_11, %sign3A_14 : i32
    %ne3A = arith.cmpi ne, %sign3A_8, %sign3A_15 : i32
    %rem3A = arith.remsi %mul3A_2, %jit3A : i32
    %ne3A_16 = arith.constant 0 : i32
    %ne3A_17 = arith.cmpi ne, %rem3A, %ne3A_16 : i32
    %and3A = arith.andi %ne3A, %ne3A_17 : i1
    %sub3A = arith.constant 1 : i32
    %sub3A_18 = arith.subi %div3A, %sub3A : i32
    %select_n3A = arith.select %and3A, %sub3A_18, %div3A : i32
    %add3A_19 = arith.constant 1 : i32
    %add3A_20 = arith.addi %add3A, %add3A_19 : i32
    %mul3A_21 = arith.constant 2500 : i32
    %mul3A_22 = arith.muli %mul3A_21, %add3A_20 : i32
    %jit3A_23 = arith.constant 32 : i32
    %div3A_24 = arith.divsi %mul3A_22, %jit3A_23 : i32
    %sign3A_25 = arith.constant 0 : i32
    %sign3A_26 = arith.cmpi sgt, %mul3A_22, %sign3A_25 : i32
    %sign3A_27 = arith.extui %sign3A_26 : i1 to i32
    %sign3A_28 = arith.constant 0 : i32
    %sign3A_29 = arith.cmpi slt, %mul3A_22, %sign3A_28 : i32
    %sign3A_30 = arith.extui %sign3A_29 : i1 to i32
    %sign3A_31 = arith.subi %sign3A_27, %sign3A_30 : i32
    %sign3A_32 = arith.constant 0 : i32
    %sign3A_33 = arith.cmpi sgt, %jit3A_23, %sign3A_32 : i32
    %sign3A_34 = arith.extui %sign3A_33 : i1 to i32
    %sign3A_35 = arith.constant 0 : i32
    %sign3A_36 = arith.cmpi slt, %jit3A_23, %sign3A_35 : i32
    %sign3A_37 = arith.extui %sign3A_36 : i1 to i32
    %sign3A_38 = arith.subi %sign3A_34, %sign3A_37 : i32
    %ne3A_39 = arith.cmpi ne, %sign3A_31, %sign3A_38 : i32
    %rem3A_40 = arith.remsi %mul3A_22, %jit3A_23 : i32
    %ne3A_41 = arith.constant 0 : i32
    %ne3A_42 = arith.cmpi ne, %rem3A_40, %ne3A_41 : i32
    %and3A_43 = arith.andi %ne3A_39, %ne3A_42 : i1
    %sub3A_44 = arith.constant 1 : i32
    %sub3A_45 = arith.subi %div3A_24, %sub3A_44 : i32
    %select_n3A_46 = arith.select %and3A_43, %sub3A_45, %div3A_24 : i32
    %min3A = arith.constant 2420 : i32
    %min3A_47 = arith.minsi %select_n3A, %min3A : i32
    %mul3A_48 = arith.constant 128 : i32
    %mul3A_49 = arith.muli %min3A_47, %mul3A_48 : i32
    %dma_start3A = arith.constant 0 : i32
    %dma_start3A_50 = tpu.memref_slice %arg2[%dma_start3A, %mul3A_49] : memref<2x320000xi32, #tpu.memory_space<hbm>> -> memref<2x10240xi32, #tpu.memory_space<hbm>>
    %dma_start3A_51 = arith.constant 0 : i32
    %dma_start3A_52 = tpu.memref_slice %arg2[%dma_start3A_51, %mul3A_49] : memref<2x320000xi32, #tpu.memory_space<hbm>> -> memref<2x10240xi32, #tpu.memory_space<hbm>>
    tpu.enqueue_dma source(%dma_start3A_52 : memref<2x10240xi32, #tpu.memory_space<hbm>>) target(%arg5 : memref<2x10240xi32, #tpu.memory_space<vmem>>) target_semaphore(%arg8 : memref<!tpu.dma_semaphore, #tpu.memory_space<semaphore_mem>>)
    tpu.enqueue_dma source(%arg3 : memref<10000xf32, #tpu.memory_space<hbm>>) target(%arg6 : memref<10000xf32, #tpu.memory_space<vmem>>) target_semaphore(%arg8 : memref<!tpu.dma_semaphore, #tpu.memory_space<semaphore_mem>>)
    %broadcast_in_dim3A = arith.constant 0.000000e+00 : f32
    %broadcast_in_dim3A_53 = vector.broadcast %broadcast_in_dim3A : f32 to vector<16xf32>
    %scan3A = arith.constant 0 : i32
    %scan3A_54 = arith.constant 0 : i32
    %scan3A_55 = arith.constant 78 : i32
    %scan3A_56 = arith.addi %scan3A_54, %scan3A_55 : i32
    %scan3A_57 = arith.constant 1 : i32
    %scan3A_58 = scf.for %scan3A_71 = %scan3A_54 to %scan3A_56 step %scan3A_57 iter_args(%scan3A_72 = %scan3A) -> (i32)  : i32 {
      %mul3A_73 = arith.constant 8 : i32
      %mul3A_74 = arith.muli %scan3A_71, %mul3A_73 : i32
      %add3A_75 = arith.constant 0 : i32
      %add3A_76 = arith.addi %mul3A_74, %add3A_75 : i32
      %mul3A_77 = arith.constant 16 : i32
      %mul3A_78 = arith.muli %add3A_76, %mul3A_77 : i32
      %swap3A_79 = arith.index_cast %mul3A_78 : i32 to index
      %swap3A_80 = tpu.vector_load %arg7[%swap3A_79] {strides = array<i32>} : memref<10000xf32, #tpu.memory_space<vmem>>, vector<16xf32>,
      tpu.vector_store %arg7[%swap3A_79], %broadcast_in_dim3A_53 {strides = array<i32>} : memref<10000xf32, #tpu.memory_space<vmem>>, vector<16xf32>,
      %mul3A_81 = arith.constant 8 : i32
      %mul3A_82 = arith.muli %scan3A_71, %mul3A_81 : i32
      %add3A_83 = arith.constant 1 : i32
      %add3A_84 = arith.addi %mul3A_82, %add3A_83 : i32
      %mul3A_85 = arith.constant 16 : i32
      %mul3A_86 = arith.muli %add3A_84, %mul3A_85 : i32
      %swap3A_87 = arith.index_cast %mul3A_86 : i32 to index
      %swap3A_88 = tpu.vector_load %arg7[%swap3A_87] {strides = array<i32>} : memref<10000xf32, #tpu.memory_space<vmem>>, vector<16xf32>,
      tpu.vector_store %arg7[%swap3A_87], %broadcast_in_dim3A_53 {strides = array<i32>} : memref<10000xf32, #tpu.memory_space<vmem>>, vector<16xf32>,
      %mul3A_89 = arith.constant 8 : i32
      %mul3A_90 = arith.muli %scan3A_71, %mul3A_89 : i32
      %add3A_91 = arith.constant 2 : i32
      %add3A_92 = arith.addi %mul3A_90, %add3A_91 : i32
      %mul3A_93 = arith.constant 16 : i32
      %mul3A_94 = arith.muli %add3A_92, %mul3A_93 : i32
      %swap3A_95 = arith.index_cast %mul3A_94 : i32 to index
      %swap3A_96 = tpu.vector_load %arg7[%swap3A_95] {strides = array<i32>} : memref<10000xf32, #tpu.memory_space<vmem>>, vector<16xf32>,
      tpu.vector_store %arg7[%swap3A_95], %broadcast_in_dim3A_53 {strides = array<i32>} : memref<10000xf32, #tpu.memory_space<vmem>>, vector<16xf32>,
      %mul3A_97 = arith.constant 8 : i32
      %mul3A_98 = arith.muli %scan3A_71, %mul3A_97 : i32
      %add3A_99 = arith.constant 3 : i32
      %add3A_100 = arith.addi %mul3A_98, %add3A_99 : i32
      %mul3A_101 = arith.constant 16 : i32
      %mul3A_102 = arith.muli %add3A_100, %mul3A_101 : i32
      %swap3A_103 = arith.index_cast %mul3A_102 : i32 to index
      %swap3A_104 = tpu.vector_load %arg7[%swap3A_103] {strides = array<i32>} : memref<10000xf32, #tpu.memory_space<vmem>>, vector<16xf32>,
      tpu.vector_store %arg7[%swap3A_103], %broadcast_in_dim3A_53 {strides = array<i32>} : memref<10000xf32, #tpu.memory_space<vmem>>, vector<16xf32>,
      %mul3A_105 = arith.constant 8 : i32
      %mul3A_106 = arith.muli %scan3A_71, %mul3A_105 : i32
      %add3A_107 = arith.constant 4 : i32
      %add3A_108 = arith.addi %mul3A_106, %add3A_107 : i32
      %mul3A_109 = arith.constant 16 : i32
      %mul3A_110 = arith.muli %add3A_108, %mul3A_109 : i32
      %swap3A_111 = arith.index_cast %mul3A_110 : i32 to index
      %swap3A_112 = tpu.vector_load %arg7[%swap3A_111] {strides = array<i32>} : memref<10000xf32, #tpu.memory_space<vmem>>, vector<16xf32>,
      tpu.vector_store %arg7[%swap3A_111], %broadcast_in_dim3A_53 {strides = array<i32>} : memref<10000xf32, #tpu.memory_space<vmem>>, vector<16xf32>,
      %mul3A_113 = arith.constant 8 : i32
      %mul3A_114 = arith.muli %scan3A_71, %mul3A_113 : i32
      %add3A_115 = arith.constant 5 : i32
      %add3A_116 = arith.addi %mul3A_114, %add3A_115 : i32
      %mul3A_117 = arith.constant 16 : i32
      %mul3A_118 = arith.muli %add3A_116, %mul3A_117 : i32
      %swap3A_119 = arith.index_cast %mul3A_118 : i32 to index
      %swap3A_120 = tpu.vector_load %arg7[%swap3A_119] {strides = array<i32>} : memref<10000xf32, #tpu.memory_space<vmem>>, vector<16xf32>,
      tpu.vector_store %arg7[%swap3A_119], %broadcast_in_dim3A_53 {strides = array<i32>} : memref<10000xf32, #tpu.memory_space<vmem>>, vector<16xf32>,
      %mul3A_121 = arith.constant 8 : i32
      %mul3A_122 = arith.muli %scan3A_71, %mul3A_121 : i32
      %add3A_123 = arith.constant 6 : i32
      %add3A_124 = arith.addi %mul3A_122, %add3A_123 : i32
      %mul3A_125 = arith.constant 16 : i32
      %mul3A_126 = arith.muli %add3A_124, %mul3A_125 : i32
      %swap3A_127 = arith.index_cast %mul3A_126 : i32 to index
      %swap3A_128 = tpu.vector_load %arg7[%swap3A_127] {strides = array<i32>} : memref<10000xf32, #tpu.memory_space<vmem>>, vector<16xf32>,
      tpu.vector_store %arg7[%swap3A_127], %broadcast_in_dim3A_53 {strides = array<i32>} : memref<10000xf32, #tpu.memory_space<vmem>>, vector<16xf32>,
      %mul3A_129 = arith.constant 8 : i32
      %mul3A_130 = arith.muli %scan3A_71, %mul3A_129 : i32
      %add3A_131 = arith.constant 7 : i32
      %add3A_132 = arith.addi %mul3A_130, %add3A_131 : i32
      %mul3A_133 = arith.constant 16 : i32
      %mul3A_134 = arith.muli %add3A_132, %mul3A_133 : i32
      %swap3A_135 = arith.index_cast %mul3A_134 : i32 to index
      %swap3A_136 = tpu.vector_load %arg7[%swap3A_135] {strides = array<i32>} : memref<10000xf32, #tpu.memory_space<vmem>>, vector<16xf32>,
      tpu.vector_store %arg7[%swap3A_135], %broadcast_in_dim3A_53 {strides = array<i32>} : memref<10000xf32, #tpu.memory_space<vmem>>, vector<16xf32>,
      %scan3A_137 = arith.constant 0 : i32
      scf.yield %scan3A_137 : i32
    }
    %scan3A_59 = arith.constant 78 : i32
    %swap3A = arith.constant 9984 : index
    %swap3A_60 = tpu.vector_load %arg7[%swap3A] {strides = array<i32>} : memref<10000xf32, #tpu.memory_space<vmem>>, vector<16xf32>,
    tpu.vector_store %arg7[%swap3A], %broadcast_in_dim3A_53 {strides = array<i32>} : memref<10000xf32, #tpu.memory_space<vmem>>, vector<16xf32>,
    %dma_wait3A = arith.constant 0 : i32
    %dma_wait3A_61 = tpu.memref_slice %arg2[%dma_wait3A, %mul3A_49] : memref<2x320000xi32, #tpu.memory_space<hbm>> -> memref<2x10240xi32, #tpu.memory_space<hbm>>
    %dma_wait3A_62 = arith.constant 0 : i32
    %dma_wait3A_63 = tpu.memref_slice %arg2[%dma_wait3A_62, %mul3A_49] : memref<2x320000xi32, #tpu.memory_space<hbm>> -> memref<2x10240xi32, #tpu.memory_space<hbm>>
    tpu.wait_dma2 semaphore(%arg8 : memref<!tpu.dma_semaphore, #tpu.memory_space<semaphore_mem>>) src(%dma_wait3A_63 : memref<2x10240xi32, #tpu.memory_space<hbm>>) dst(%arg5 : memref<2x10240xi32, #tpu.memory_space<vmem>>)
    tpu.wait_dma2 semaphore(%arg8 : memref<!tpu.dma_semaphore, #tpu.memory_space<semaphore_mem>>) src(%arg3 : memref<10000xf32, #tpu.memory_space<hbm>>) dst(%arg6 : memref<10000xf32, #tpu.memory_space<vmem>>)
    %sub3A_64 = arith.subi %select_n3A, %min3A_47 : i32
    %mul3A_65 = arith.constant 128 : i32
    %mul3A_66 = arith.muli %sub3A_64, %mul3A_65 : i32
    %sub3A_67 = arith.subi %select_n3A_46, %select_n3A : i32
    %mul3A_68 = arith.constant 128 : i32
    %mul3A_69 = arith.muli %sub3A_67, %mul3A_68 : i32
    %parallel_loop3A = arith.constant 0 : i32
    %parallel_loop3A_70 = arith.constant 16 : i32
    scf.for %parallel_loop3A_71 = %parallel_loop3A to %mul3A_69 step %parallel_loop3A_70  : i32 {
      %parallel_loop3A_72 = arith.addi %mul3A_66, %parallel_loop3A_71 : i32
      %parallel_loop3A_73 = arith.constant 0 : i32
      %parallel_loop3A_74 = arith.index_cast %parallel_loop3A_73 : i32 to index
      %parallel_loop3A_75 = arith.index_cast %parallel_loop3A_72 : i32 to index
      %parallel_loop3A_76 = tpu.vector_load %arg5[%parallel_loop3A_74, %parallel_loop3A_75] {strides = array<i32>} : memref<2x10240xi32, #tpu.memory_space<vmem>>, vector<16xi32>,
      %parallel_loop3A_77 = arith.addi %mul3A_66, %parallel_loop3A_71 : i32
      %parallel_loop3A_78 = arith.constant 1 : i32
      %parallel_loop3A_79 = arith.index_cast %parallel_loop3A_78 : i32 to index
      %parallel_loop3A_80 = arith.index_cast %parallel_loop3A_77 : i32 to index
      %parallel_loop3A_81 = tpu.vector_load %arg5[%parallel_loop3A_79, %parallel_loop3A_80] {strides = array<i32>} : memref<2x10240xi32, #tpu.memory_space<vmem>>, vector<16xi32>,
      %parallel_loop3A_82 = tpu.vector_load_idx %arg6[%parallel_loop3A_76] : memref<10000xf32, #tpu.memory_space<vmem>>[vector<16xi32>], vector<16xf32>,
      tpu.vector_store_idx %arg7[%parallel_loop3A_81], %parallel_loop3A_82 {add = true} : memref<10000xf32, #tpu.memory_space<vmem>>[vector<16xi32>], vector<16xf32>,
    } {sc.loop_unroll_factor = 8 : i64, sc.parallel_access}
    "tpu.region"() ({
      %run_scoped3A = tpu.sem_alloc : memref<!tpu.dma_semaphore, #tpu.memory_space<semaphore_mem>>
      %dma_start3A_71 = arith.constant 0 : i32
      %dma_start3A_72 = tpu.memref_slice %arg4[%add3A, %dma_start3A_71] : memref<32x10000xf32, #tpu.memory_space<hbm>> -> memref<1x10000xf32, #tpu.memory_space<hbm>>
      %dma_start3A_73 = tpu.memref_squeeze %dma_start3A_72 : memref<1x10000xf32, #tpu.memory_space<hbm>> -> memref<10000xf32, #tpu.memory_space<hbm>>
      %dma_start3A_74 = arith.constant 0 : i32
      %dma_start3A_75 = tpu.memref_slice %arg4[%add3A, %dma_start3A_74] : memref<32x10000xf32, #tpu.memory_space<hbm>> -> memref<1x10000xf32, #tpu.memory_space<hbm>>
      %dma_start3A_76 = tpu.memref_squeeze %dma_start3A_75 : memref<1x10000xf32, #tpu.memory_space<hbm>> -> memref<10000xf32, #tpu.memory_space<hbm>>
      tpu.enqueue_dma source(%arg7 : memref<10000xf32, #tpu.memory_space<vmem>>) target(%dma_start3A_76 : memref<10000xf32, #tpu.memory_space<hbm>>) target_semaphore(%run_scoped3A : memref<!tpu.dma_semaphore, #tpu.memory_space<semaphore_mem>>)
      %dma_wait3A_77 = arith.constant 0 : i32
      %dma_wait3A_78 = tpu.memref_slice %arg4[%add3A, %dma_wait3A_77] : memref<32x10000xf32, #tpu.memory_space<hbm>> -> memref<1x10000xf32, #tpu.memory_space<hbm>>
      %dma_wait3A_79 = tpu.memref_squeeze %dma_wait3A_78 : memref<1x10000xf32, #tpu.memory_space<hbm>> -> memref<10000xf32, #tpu.memory_space<hbm>>
      %dma_wait3A_80 = arith.constant 0 : i32
      %dma_wait3A_81 = tpu.memref_slice %arg4[%add3A, %dma_wait3A_80] : memref<32x10000xf32, #tpu.memory_space<hbm>> -> memref<1x10000xf32, #tpu.memory_space<hbm>>
      %dma_wait3A_82 = tpu.memref_squeeze %dma_wait3A_81 : memref<1x10000xf32, #tpu.memory_space<hbm>> -> memref<10000xf32, #tpu.memory_space<hbm>>
      tpu.wait_dma2 semaphore(%run_scoped3A : memref<!tpu.dma_semaphore, #tpu.memory_space<semaphore_mem>>) src(%arg7 : memref<10000xf32, #tpu.memory_space<vmem>>) dst(%dma_wait3A_82 : memref<10000xf32, #tpu.memory_space<hbm>>)
      tpu.yield
    }) : () -> ()
    return
  }
}

module attributes {stable_mosaic.version = 14 : i64} {
  func.func @_s_body(%arg0: memref<10000x128xf32, #tpu.memory_space<vmem>>, %arg1: memref<128x128xf32, #tpu.memory_space<vmem>>, %arg2: memref<128x1xf32, #tpu.memory_space<vmem>>, %arg3: memref<10000xf32, #tpu.memory_space<vmem>>) attributes {dimension_semantics = [], scalar_prefetch = 0 : i64, scratch_operands = 0 : i64, tpu.core_type = #tpu.core_type<tc>} {
    %get3A = arith.constant 0 : index
    %get3A_0 = arith.constant 0 : index
    %get3A_1 = vector.load %arg2[%get3A, %get3A_0] : memref<128x1xf32, #tpu.memory_space<vmem>>, vector<128x1xf32>
    %get3A_2 = arith.constant 0 : index
    %get3A_3 = arith.constant 0 : index
    %get3A_4 = vector.load %arg1[%get3A_2, %get3A_3] : memref<128x128xf32, #tpu.memory_space<vmem>>, vector<128x128xf32>
    %dot_general3A = arith.constant dense<0.000000e+00> : vector<1x128xf32>
    %dot_general3A_5 = tpu.matmul %get3A_1, %get3A_4, %dot_general3A {dimension_numbers = #tpu.dot_dimension_numbers<[0], [1], [1], [0], [0, 1, 1, 0], [], []>, transpose_lhs_hint = false} : vector<128x1xf32>, vector<128x128xf32>, vector<1x128xf32> -> vector<1x128xf32>
    %get3A_6 = arith.constant 0 : index
    %get3A_7 = arith.constant 0 : index
    %get3A_8 = vector.load %arg0[%get3A_6, %get3A_7] : memref<10000x128xf32, #tpu.memory_space<vmem>>, vector<10000x128xf32>
    %dot_general3A_9 = arith.constant dense<0.000000e+00> : vector<1x10000xf32>
    %dot_general3A_10 = tpu.matmul %dot_general3A_5, %get3A_8, %dot_general3A_9 {dimension_numbers = #tpu.dot_dimension_numbers<[1], [1], [0], [0], [0, 0, 1, 0], [], []>, transpose_lhs_hint = false} : vector<1x128xf32>, vector<10000x128xf32>, vector<1x10000xf32> -> vector<1x10000xf32>
    %squeeze3A = vector.shape_cast %dot_general3A_10 : vector<1x10000xf32> to vector<10000xf32>
    %swap3A = arith.constant 0 : index
    %swap3A_11 = vector.load %arg3[%swap3A] : memref<10000xf32, #tpu.memory_space<vmem>>, vector<10000xf32>
    tpu.vector_store %arg3[%swap3A], %squeeze3A {strides = array<i32>} : memref<10000xf32, #tpu.memory_space<vmem>>, vector<10000xf32>,
    return
  }
}

module attributes {stable_mosaic.version = 14 : i64} {
  func.func @_final_body(%arg0: memref<32x10000xf32, #tpu.memory_space<vmem>>, %arg1: memref<10000xf32, #tpu.memory_space<vmem>>, %arg2: memref<10000xf32, #tpu.memory_space<vmem>>, %arg3: memref<128xf32, #tpu.memory_space<vmem>>, %arg4: memref<128xf32, #tpu.memory_space<vmem>>, %arg5: memref<1xf32, #tpu.memory_space<vmem>>, %arg6: memref<10000xf32, #tpu.memory_space<vmem>>) attributes {dimension_semantics = [], scalar_prefetch = 0 : i64, scratch_operands = 0 : i64, tpu.core_type = #tpu.core_type<tc>} {
    %get3A = arith.constant 0 : index
    %get3A_0 = arith.constant 0 : index
    %get3A_1 = vector.load %arg0[%get3A, %get3A_0] : memref<32x10000xf32, #tpu.memory_space<vmem>>, vector<32x10000xf32>
    %reduce_sum3A = arith.constant dense<0.000000e+00> : vector<10000xf32>
    %reduce_sum3A_2 = vector.multi_reduction <add>, %get3A_1, %reduce_sum3A [0] : vector<32x10000xf32> to vector<10000xf32>
    %get3A_3 = arith.constant 0 : index
    %get3A_4 = vector.load %arg3[%get3A_3] : memref<128xf32, #tpu.memory_space<vmem>>, vector<128xf32>
    %get3A_5 = arith.constant 0 : index
    %get3A_6 = vector.load %arg4[%get3A_5] : memref<128xf32, #tpu.memory_space<vmem>>, vector<128xf32>
    %mul3A = arith.mulf %get3A_4, %get3A_6 : vector<128xf32>
    %reduce_sum3A_7 = vector.shape_cast %mul3A : vector<128xf32> to vector<1x128xf32>
    %reduce_sum3A_8 = arith.constant dense<0.000000e+00> : vector<1xf32>
    %reduce_sum3A_9 = vector.multi_reduction <add>, %reduce_sum3A_7, %reduce_sum3A_8 [1] : vector<1x128xf32> to vector<1xf32>
    %reduce_sum3A_10 = vector.shape_cast %reduce_sum3A_9 : vector<1xf32> to vector<1x1xf32>
    %reduce_sum3A_11 = vector.extract %reduce_sum3A_10[0, 0] : f32 from vector<1x1xf32>
    %get3A_12 = arith.constant 0 : index
    %get3A_13 = vector.load %arg5[%get3A_12] : memref<1xf32, #tpu.memory_space<vmem>>, vector<1xf32>
    %reduce_sum3A_14 = vector.shape_cast %get3A_13 : vector<1xf32> to vector<1x1xf32>
    %reduce_sum3A_15 = arith.constant dense<0.000000e+00> : vector<1xf32>
    %reduce_sum3A_16 = vector.multi_reduction <add>, %reduce_sum3A_14, %reduce_sum3A_15 [1] : vector<1x1xf32> to vector<1xf32>
    %reduce_sum3A_17 = vector.shape_cast %reduce_sum3A_16 : vector<1xf32> to vector<1x1xf32>
    %reduce_sum3A_18 = vector.extract %reduce_sum3A_17[0, 0] : f32 from vector<1x1xf32>
    %add3A = arith.addf %reduce_sum3A_11, %reduce_sum3A_18 : f32
    %get3A_19 = arith.constant 0 : index
    %get3A_20 = vector.load %arg2[%get3A_19] : memref<10000xf32, #tpu.memory_space<vmem>>, vector<10000xf32>
    %get3A_21 = arith.constant 0 : index
    %get3A_22 = vector.load %arg1[%get3A_21] : memref<10000xf32, #tpu.memory_space<vmem>>, vector<10000xf32>
    %add3A_23 = arith.addf %reduce_sum3A_2, %get3A_22 : vector<10000xf32>
    %mul3A_24 = arith.mulf %get3A_20, %add3A_23 : vector<10000xf32>
    %add3A_25 = vector.broadcast %add3A : f32 to vector<10000xf32>
    %add3A_26 = arith.addf %mul3A_24, %add3A_25 : vector<10000xf32>
    %swap3A = arith.constant 0 : index
    %swap3A_27 = vector.load %arg6[%swap3A] : memref<10000xf32, #tpu.memory_space<vmem>>, vector<10000xf32>
    tpu.vector_store %arg6[%swap3A], %add3A_26 {strides = array<i32>} : memref<10000xf32, #tpu.memory_space<vmem>>, vector<10000xf32>,
    return
  }
}

module attributes {stable_mosaic.version = 14 : i64} {
  func.func @_t_body(%arg0: memref<10000xf32, #tpu.memory_space<vmem>>, %arg1: memref<32x10000xf32, #tpu.memory_space<vmem>>, %arg2: memref<10000xf32, #tpu.memory_space<vmem>>, %arg3: memref<10000xf32, #tpu.memory_space<vmem>>) attributes {dimension_semantics = [], scalar_prefetch = 0 : i64, scratch_operands = 0 : i64, tpu.core_type = #tpu.core_type<tc>} {
    %get3A = arith.constant 0 : index
    %get3A_0 = arith.constant 0 : index
    %get3A_1 = vector.load %arg1[%get3A, %get3A_0] : memref<32x10000xf32, #tpu.memory_space<vmem>>, vector<32x10000xf32>
    %reduce_sum3A = arith.constant dense<0.000000e+00> : vector<10000xf32>
    %reduce_sum3A_2 = vector.multi_reduction <add>, %get3A_1, %reduce_sum3A [0] : vector<32x10000xf32> to vector<10000xf32>
    %add3A = arith.constant 1.000000e+00 : f32
    %add3A_3 = vector.broadcast %add3A : f32 to vector<10000xf32>
    %add3A_4 = arith.addf %reduce_sum3A_2, %add3A_3 : vector<10000xf32>
    %rsqrt3A = math.rsqrt %add3A_4 : vector<10000xf32>
    %get3A_5 = arith.constant 0 : index
    %get3A_6 = vector.load %arg0[%get3A_5] : memref<10000xf32, #tpu.memory_space<vmem>>, vector<10000xf32>
    %mul3A = arith.mulf %rsqrt3A, %get3A_6 : vector<10000xf32>
    %swap3A = arith.constant 0 : index
    %swap3A_7 = vector.load %arg2[%swap3A] : memref<10000xf32, #tpu.memory_space<vmem>>, vector<10000xf32>
    tpu.vector_store %arg2[%swap3A], %mul3A {strides = array<i32>} : memref<10000xf32, #tpu.memory_space<vmem>>, vector<10000xf32>,
    %swap3A_8 = arith.constant 0 : index
    %swap3A_9 = vector.load %arg3[%swap3A_8] : memref<10000xf32, #tpu.memory_space<vmem>>, vector<10000xf32>
    tpu.vector_store %arg3[%swap3A_8], %rsqrt3A {strides = array<i32>} : memref<10000xf32, #tpu.memory_space<vmem>>, vector<10000xf32>,
    return
  }
}

</mosaic_0001>

<sc_bundles>
// kernel: kernel.10.cloned.1.call-start
scs
__scs_entry_jumppad:
0x0: {  	(pc) =	sbr.rel $0x88, $3  }
0x1: {  	(tag) =	ssettag $0x0;
	lr =	simm.s32 $0x1  }
0x2: {  	[smem:$0x3F9B] =	sst lr;
	_ =	strace $0xD0000000  }
0x3: {  	_ = 	snop  }
0x4: {  	_ = 	snop  }
0x5: {  	_ = 	snop  }
0x6: {  	_ = 	snop  }
0x7: {  	_ = 	snop  }
__scs_overlays_trampoline_lowered:
0x8: {  	[smem:$0x3FAA] =	sst s0  }
0x9: {  	[smem:$0x3FAB] =	sst s1  }
0xa: {  	[smem:$0x3FAC] =	sst s2  }
0xb: {  	[smem:$0x3FAD] =	sst s3  }
0xc: {  	[smem:$0x3FAE] =	sst s4  }
0xd: {  	[smem:$0x3FAF] =	sst s5  }
0xe: {  	[smem:$0x3FB0] =	sst s6  }
0xf: {  	[smem:$0x3FB1] =	sst s7  }
0x10: {  	[smem:$0x3FB2] =	sst s8  }
0x11: {  	[smem:$0x3FB3] =	sst s9;
	s0 =	simm.s32 @!p0 $0x0  }
0x12: {  	s1 =	sld [smem:$0x3F99];
	s0 =	simm.s32 @p0 $0x1  }
0x13: {  	[smem:$0x3FB4] =	sst s0;
	s0 =	simm.s32 @!p1 $0x0  }
0x14: {  	s2 =	sld [smem:$0x3F98];
	s0 =	simm.s32 @p1 $0x1  }
0x15: {  	[smem:$0x3FB5] =	sst s0;
	s0 =	simm.s32 @!p2 $0x0  }
0x16: {  	s3 =	sld [smem:$0x3FDB];
	s0 =	simm.s32 @p2 $0x1  }
0x17: {  	s4 =	simm.s32 $0x1BF5;
	[smem:$0x3FB7] =	sst s0  }
0x18: {  	s0 =	sld [smem:$0x3F9A];
	_ =	swait.ge [sflag:s4], $0x0  }
0x19: {  	s7 =	sld [smem:$0x3F9B]  }
0x1a: {  	s8 =	sadd.s32 $0xFFFFE003, lr  }
0x1b: {  	s9 =	sadd.s32 $0xFFFFFEF7, lr;
	s5 =	simm.s32 $0xFFFFFFFF;
	p2 =	slt.u32 s8, $0xFFFFF086  }
0x1c: {  	p1 =	slt.u32 s9, $0xF7A;
	s5 =	simm.s32 @!p2 $0x0  }
0x1d: {  	s5 =	simm.s32 @p1 $0x1;
	p0 =	seq.s32 s7, s2  }
0x1e: {  	s7 =	smul.u32 @!p0 $0xF7A, s2;
	p2 =	seq.s32 @!p0 s5, $0x0  }
0x1f: {  	s9 =	smul.u32 $0xF7A, s1;
	s8 =	simm.s32 @!p0 $0x1BF5;
	p2 =	por !p2, p0  }
0x20: {  	[sflag:s8] =	ssyncset.s32 @!p0 $0xFFFFF086;
	s6 =	sadd.s32 @!p0 s3, s7;
	s7 =	simm.s32 @!p0 $0x108  }
0x21: {  	s3 =	sadd.s32 s3, s9;
	s6 =	sadd.s32 @!p0 $0x88, s6;
	s7 =	simm.s32 @p2 $0x1082  }
0x22: {  	[simem:s7], [sflag:s8] =	dma.local @!p0 [hbm:s6], $0xF7A  }
0x23: {  	s9 =	sor.u32 $0xD0000000, s2;
	s6 =	simm.s32 $0x108;
	_ =	swait.ge @!p0 [sflag:s8], $0x0  }
0x24: {  	s3 =	sadd.s32 $0x88, s3;
	s6 =	simm.s32 @!p1 $0x1082;
	[sflag:s4] =	ssyncset.s32 $0xFFFFF086  }
0x25: {  	[simem:s6], [sflag:s4] =	dma.local [hbm:s3], $0xF7A  }
0x26: {  	[smem:$0x3F9B] =	sst s1;
	(tag) =	ssettag s2;
	_ =	strace s9  }
0x27: {  	s1 =	sld [smem:$0x3FAB]  }
0x28: {  	s2 =	sld [smem:$0x3FAC]  }
0x29: {  	s4 =	sld [smem:$0x3FAE]  }
0x2a: {  	p0 =	seq.s32 s5, $0x0;
	s5 =	sld [smem:$0x3FAF]  }
0x2b: {  	s6 =	sld [smem:$0x3FB0]  }
0x2c: {  	s7 =	sld [smem:$0x3FB1]  }
0x2d: {  	s3 =	simm.s32 $0x108;
	s8 =	sld [smem:$0x3FB2]  }
0x2e: {  	s3 =	simm.s32 @!p0 $0x1082;
	s9 =	sld [smem:$0x3FB3]  }
0x2f: {  	lr =	sadd.s32 s0, s3;
	s0 =	sld [smem:$0x3FAA]  }
0x30: {  	s3 =	sld [smem:$0x3FAD]  }
0x31: {  	[smem:$0x3FB6] =	sst s10  }
0x32: {  	s10 =	sld [smem:$0x3FB4];
	_ =	sdelay $0x3  }
0x33: {  	p0 =	seq.s32 s10, $0x1;
	s10 =	sld [smem:$0x3FB6];
	_ =	sdelay $0x3  }
0x34: {  	[smem:$0x3FB6] =	sst s10  }
0x35: {  	s10 =	sld [smem:$0x3FB5];
	_ =	sdelay $0x3  }
0x36: {  	p1 =	seq.s32 s10, $0x1;
	s10 =	sld [smem:$0x3FB6];
	_ =	sdelay $0x3  }
0x37: {  	[smem:$0x3FB6] =	sst s10  }
0x38: {  	s10 =	sld [smem:$0x3FB7]  }
0x39: {  	_ = 	snop;
	(pc) =	sbr.ind lr, $3  }
0x3a: {  	_ = 	snop  }
0x3b: {  	_ = 	snop  }
0x3c: {  	p2 =	seq.s32 s10, $0x1;
	s10 =	sld [smem:$0x3FB6]  }
0x3d: {  	_ =	shalt  }
0x3e: {  	_ =	shalt  }
0x3f: {  	_ =	shalt  }
0x40: {  	_ =	shalt  }
0x41: {  	_ =	shalt  }
0x42: {  	_ =	shalt  }
0x43: {  	_ =	shalt  }
0x44: {  	_ =	shalt  }
0x45: {  	_ =	shalt  }
0x46: {  	_ =	shalt  }
0x47: {  	_ =	shalt  }
0x48: {  	_ =	shalt  }
0x49: {  	_ =	shalt  }
0x4a: {  	_ =	shalt  }
0x4b: {  	_ =	shalt  }
0x4c: {  	_ =	shalt  }
0x4d: {  	_ =	shalt  }
0x4e: {  	_ =	shalt  }
0x4f: {  	_ =	shalt  }
0x50: {  	_ =	shalt  }
0x51: {  	_ =	shalt  }
0x52: {  	_ =	shalt  }
0x53: {  	_ =	shalt  }
0x54: {  	_ =	shalt  }
0x55: {  	_ =	shalt  }
0x56: {  	_ =	shalt  }
0x57: {  	_ =	shalt  }
0x58: {  	_ =	shalt  }
0x59: {  	_ =	shalt  }
0x5a: {  	_ =	shalt  }
0x5b: {  	_ =	shalt  }
0x5c: {  	_ =	shalt  }
0x5d: {  	_ =	shalt  }
0x5e: {  	_ =	shalt  }
0x5f: {  	_ =	shalt  }
0x60: {  	_ =	shalt  }
0x61: {  	_ =	shalt  }
0x62: {  	_ =	shalt  }
0x63: {  	_ =	shalt  }
0x64: {  	_ =	shalt  }
0x65: {  	_ =	shalt  }
0x66: {  	_ =	shalt  }
0x67: {  	_ =	shalt  }
0x68: {  	_ =	shalt  }
0x69: {  	_ =	shalt  }
0x6a: {  	_ =	shalt  }
0x6b: {  	_ =	shalt  }
0x6c: {  	_ =	shalt  }
0x6d: {  	_ =	shalt  }
0x6e: {  	_ =	shalt  }
0x6f: {  	_ =	shalt  }
0x70: {  	_ =	shalt  }
0x71: {  	_ =	shalt  }
0x72: {  	_ =	shalt  }
0x73: {  	_ =	shalt  }
0x74: {  	_ =	shalt  }
0x75: {  	_ =	shalt  }
0x76: {  	_ =	shalt  }
0x77: {  	_ =	shalt  }
0x78: {  	_ =	shalt  }
0x79: {  	_ =	shalt  }
0x7a: {  	_ =	shalt  }
0x7b: {  	_ =	shalt  }
0x7c: {  	_ =	shalt  }
0x7d: {  	_ =	shalt  }
0x7e: {  	_ =	shalt  }
0x7f: {  	_ =	shalt  }
0x80: {  	_ =	shalt  }
0x81: {  	_ =	shalt  }
0x82: {  	_ =	shalt  }
0x83: {  	_ =	shalt  }
0x84: {  	_ =	shalt  }
0x85: {  	_ =	shalt  }
0x86: {  	_ =	shalt  }
0x87: {  	_ =	shalt  }
.Lfunc_end0:
.L_simem_size_0:
called_computation.1_lowered:
.L_overlay_start_0:
0x88: {  	s2 =	sld [smem:$0x3FD9]  }
0x89: {  	s3 =	sld [smem:$0x3FFE];
	_ =	sdelay $0x1  }
0x8a: {  	s1 =	srdreg.scid  }
0x8b: {  	s0 =	sand.u32 $0x1, s1  }
0x8c: {  	s17 =	sshll.u32 s0, $0xA;
	s2 =	sadd.s32 s3, s2  }
0x8d: {  	s2 =	sadd.s32 s2, s17  }
0x8e: {  	[smem:$0x3FC2] =	sst s2  }
0x8f: {  	_ = 	snop  }
0x90: {  	s2 =	sld [smem:$0x3FC8];
	(tm) =	ssettm $0x1  }
0x91: {  	s18 =	sld [smem:$0x3FFB];
	_ =	sdelay $0x3  }
0x92: {  	_ =	strace s18  }
0x93: {  	s3 =	sld [smem:$0x3FFC];
	_ =	sdelay $0x3  }
0x94: {  	_ =	strace s3  }
0x95: {  	s3 =	sld [smem:$0x3FFD];
	_ =	sdelay $0x3  }
0x96: {  	_ =	strace s3  }
0x97: {  	_ =	strace $0x8FFFFFFF  }
0x98: {  	s19 =	sld [smem:$0x3FDB];
	_ =	sdelay $0x1  }
0x99: {  	s4 =	simm.s32 $_scs_section_size  }
0x9a: {  	s5 =	simm.s32 $_size__tile_overlayer_lowered;
	s6 =	simm.s32 $_tile_overlayer_lowered  }
0x9b: {  	s22 =	simm.s32 $0x1BFF;
	s21 =	sshll.u32 s6, $0x1;
	s3 =	sadd.s32 s4, s19  }
0x9c: {  	s7 =	simm.s32 $0x0;
	s20 =	sshll.u32 s5, $0x1;
	s5 =	sadd.s32 s21, s3  }
0x9d: {  	[timem:s7], [sflag:s22] =	dma.local [hbm:s5], s20  }
0x9e: {  	_ =	swait.ge [sflag:s22], s20  }
0x9f: {  	s4 =	ssub.s32 $0x0, s20;
	[sflag:s22] =	ssyncset.done $0x0  }
0xa0: {  	[sflag:s22] =	ssyncadd.s32 s4;
	_ =	sdelay $0x1  }
0xa1: {  	s23 =	simm.s32 $0x1B8B  }
0xa2: {  	_ =	swait.ge [sflag:s23], $0x1  }
0xa3: {  	[sflag:s23] =	ssyncset.done $0x0  }
0xa4: {  	s25 =	simm.s32 $0x1B8E;
	s24 =	sld [smem:$0x3FFE];
	[sflag:s23] =	ssyncadd.s32 $0xFFFFFFFF  }
0xa5: {  	s26 =	simm.s32 $execute0_lowered;
	[smem:$0x3FD2] =	sst s25  }
0xa6: {  	s5 =	sshll.u32 s26, $0x1;
	_ =	strace $0x80000049;
	[dreg:$0x1] =	wrdreg $0xFFFFFFFF  }
0xa7: {  	s28 =	simm.s32 $_size_execute0_lowered;
	s3 =	sadd.s32 s3, s5;
	[dreg:$0x0] =	wrdreg $0x0  }
0xa8: {  	s5 =	sshll.u32 s28, $0x1;
	[dreg:$0x2] =	wrdreg s3  }
0xa9: {  	[dreg:$0x3] =	wrdreg s5  }
0xaa: {  	[dreg:$0x4] =	wrdreg $0xC0  }
0xab: {  	_ =	task [dreg:s7], $0x5FFFF  }
0xac: {  	[dreg:$0x1] =	wrdreg $0xFFFFFFFF  }
0xad: {  	[dreg:$0x0] =	wrdreg $0x60  }
0xae: {  	[dreg:$0x2] =	wrdreg s2  }
0xaf: {  	[dreg:$0x3] =	wrdreg s24  }
0xb0: {  	[dreg:$0x4] =	wrdreg $0x9  }
0xb1: {  	_ =	task.clear_ibuf [dreg:s7], $0x5FFFF;
	_ =	strace $0x90000049  }
0xb2: {  	s29 =	simm.s32 $0x9;
	_ =	strace $0x8000004B  }
0xb3: {  	_ =	swait.ge [sflag:s29], $0x1  }
0xb4: {  	[sflag:s29] =	ssyncadd.s32 $0xFFFFFFFF  }
0xb5: {  	_ =	strace $0x9000004B  }
0xb6: {  	_ =	sfence  }
0xb7: {  	s30 =	sld [smem:$0x0];
	_ =	sdelay $0x2  }
0xb8: {  	s31 =	sshll.u32 s1, $0xD;
	s1 =	sshrl.u32 s1, $0x2  }
0xb9: {  	s3 =	sand.u32 $0x4000, s31;
	s1 =	sadd.s32 s1, s30  }
0xba: {  	s0 =	sor.u32 s3, s0;
	s1 =	sshll.u32 s1, $0x11  }
0xbb: {  	s0 =	sor.u32 s1, s0  }
0xbc: {  	s0 =	sadd.s32 $0x8F2B, s0  }
0xbd: {  	[sflag:s0] =	ssyncadd.remote.s32 $0x1  }
0xbe: {  	_ =	sfence.sel $0xFFFF  }
0xbf: {  	[dreg:$0x0] =	wrdreg $0xFFFFFFFF;
	(pc) =	sbr.abs _section_cstart, $3  }
0xc0: {  	[dreg:$0x1] =	wrdreg $0xFFFFFFFF  }
0xc1: {  	_ =	task.clear_ibuf [dreg:s7], $0x2FFFF;
	_ =	strace $0x9FFFFFFF  }
0xc2: {  	(tm) =	ssettm $0x7FFFFFFF  }
0xc3: {  	_ =	shalt  }
tec
execute0_lowered:
.L_overlay_start_1:
0x0: {  	(tag) =	ssettag $0x1  }
0x1: {  	s4 =	rddreg [dreg:$0x0]  }
0x2: {  	s5 =	rddreg [dreg:$0x1]  }
0x3: {  	s0 =	rddreg [dreg:$0x2]  }
0x4: {  	s3 =	srdreg.scid;
	s1 =	stileid.u32;
	s2 =	simm.s32 $0x0  }
0x5: {  	s13 =	simm.s32 $0x80;
	s14 =	simm.s32 $0x400;
	s15 =	simm.s32 $0x2  }
0x6: {  	s16 =	simm.s32 $0x0;
	s6 =	sand.u32 $0x1, s3;
	s18 =	sshll.u32 s1, $0x1  }
0x7: {  	[smem:$0x7FF] =	sst s2;
	s19 =	sshrl.u32 s1, $0x2;
	s10 =	smul.u32 $0x1388, s1  }
0x8: {  	s3 =	sadd.s32 $0x2000, s5;
	s7 =	sor.u32 s6, s18;
	s8 =	smul.u32 $0x13C00, s19  }
0x9: {  	s20 =	ssub.s32 $0x2, s6;
	s6 =	smul.u32 $0x9C4, s6;
	s9 =	sshll.u32 s7, $0x7  }
0xa: {  	_ =	strace $0x8000004A;
	s7 =	smul.u32 $0x9C4, s7;
	s9 =	sand.u32 $0x380, s9  }
0xb: {  	s11 =	sshrl.u32 s20, $0x1;
	s6 =	sadd.s32 s6, s10;
	s8 =	sor.u32 s8, s9  }
0xc: {  	s9 =	ssub.s32 s20, s11;
	s21 =	sshrl.u32 s7, $0x5;
	s7 =	sadd.s32 $0x9C4, s7  }
0xd: {  	s6 =	sshrl.u32 s6, $0x5;
	s11 =	simm.s32 $0x1;
	s8 =	sshrl.u32 s8, $0x3  }
0xe: {  	s22 =	smin.u32 s21, $0x974;
	s7 =	sshrl.u32 s7, $0x5;
	s25 =	smin.u32 s6, $0x974  }
0xf: {  	s26 =	sshll.u32 s6, $0x7;
	s28 =	sshll.u32 s6, $0xA;
	s8 =	sadd.s32 s8, s5  }
0x10: {  	s23 =	sshll.u32 s22, $0x5;
	s24 =	ssub.s32 s7, s21;
	s12 =	sshll.u32 s25, $0x7  }
.Ltmp0:
0x11: {  	s7 =	sshll.u32 s25, $0xA;
	s4 =	sadd.s32 s4, s23;
	(pc) =	sbr.rel .LBB2_1-.Ltmp0, $4  }
0x12: {  	s5 =	sshll.u32 s24, $0x7;
	s10 =	ssub.s32 s26, s12;
	s6 =	sadd.s32 $0x2600, s8  }
0x13: {  	s30 =	ssub.s32 s28, s7;
	s7 =	smax.u32 s9, $0x1;
	p0 =	slt.s32 s24, $0x1  }
0x14: {  	s12 =	simm.s32 $0x7780;
	s29 =	sshll.u32 s10, $0x1;
	s31 =	sor.u32 $0x200, s30  }
0x15: {  	v0 =	vimm.f32 $0.0e+00;
	s10 =	simm.s32 $0x5000;
	s8 =	sor.u32 $0x80, s29;
	s9 =	sshra.s32 s31, $0x2  }
.LBB2_7:
0x16: {  	_ = 	snop  }
.LBB2_12:
0x17: {  	_ =	sdelay $0x3  }
0x18: {  	[tilespmem:v16+s12+$0x0] =	vst.idx.add.f32.msk @p1 $0xffff, v15  }
0x19: {  	[tilespmem:v11+s12+$0x0] =	vst.idx.add.f32.msk $0xffff, v6  }
0x1a: {  	[tilespmem:v12+s12+$0x0] =	vst.idx.add.f32.msk $0xffff, v7  }
0x1b: {  	[tilespmem:v8+s12+$0x0] =	vst.idx.add.f32.msk $0xffff, v3  }
0x1c: {  	[tilespmem:v9+s12+$0x0] =	vst.idx.add.f32.msk $0xffff, v4  }
0x1d: {  	[tilespmem:v2+s12+$0x0] =	vst.idx.add.f32.msk $0xffff, v1  }
0x1e: {  	[tilespmem:v10+s12+$0x0] =	vst.idx.add.f32.msk $0xffff, v5  }
.LBB2_4:
0x1f: {  	s16 =	sadd.s32 $0x1, s16  }
0x20: {  	p1 =	seq.s32 s16, s7  }
.Ltmp1:
0x21: {  	_ = 	snop;
	(pc) =	sbr.rel @p1 .LBB2_5-.Ltmp1, $4  }
0x22: {  	[hbm4b:s6+s13] =	stream.strided.scatter [tilespmem:s12], [sflag:$0x2], $0x2780, s14, s13, $0x38;
	[tilespmem:$0x9F00] =	vst v63  }
0x23: {  	_ =	swait.ge [sflag:s15], $0x2780  }
0x24: {  	[sflag:s15] =	ssyncset.done $0x0  }
0x25: {  	[sflag:s15] =	ssyncadd.s32 $0xFFFFD880  }
.LBB2_1:
0x26: {  	[tilespmem:s2], [sflag:$0x1] =	stream.linear.gather [hbm4b:s4+s2], $0x5000, $0x38;
	[tilespmem:$0x9F00] =	vst v63  }
0x27: {  	s17 =	simm.s32 $0x0;
	s18 =	simm.s32 $0x200  }
0x28: {  	[tilespmem:s10], [sflag:$0x1] =	stream.linear.gather [hbm4b:s3+s2], $0x2780, $0x38;
	[tilespmem:$0x9F00] =	vst v63  }
.LBB2_2:
0x29: {  	p1 =	sne.s32 s18, $0x9A00;
	[tilespmem:s17+$0x77F0] =	vst v0  }
0x2a: {  	[tilespmem:s17+$0x7780] =	vst v0  }
0x2b: {  	[tilespmem:s17+$0x7790] =	vst v0  }
.Ltmp2:
0x2c: {  	[tilespmem:s17+$0x77A0] =	vst v0;
	(pc) =	sbr.rel @p1 .LBB2_2-.Ltmp2, $4  }
0x2d: {  	[tilespmem:s17+$0x77B0] =	vst v0  }
0x2e: {  	[tilespmem:s17+$0x77C0] =	vst v0  }
0x2f: {  	[tilespmem:s17+$0x77D0] =	vst v0  }
0x30: {  	[tilespmem:s17+$0x77E0] =	vst v0;
	s17 =	sshra.s32 s18, $0x2;
	s18 =	sadd.s32 $0x200, s18  }
0x31: {  	[tilespmem:s17+$0x77F0] =	vst v0  }
0x32: {  	[tilespmem:s17+$0x7780] =	vst v0  }
0x33: {  	[tilespmem:s17+$0x7790] =	vst v0  }
0x34: {  	[tilespmem:s17+$0x77A0] =	vst v0  }
0x35: {  	[tilespmem:s17+$0x77B0] =	vst v0  }
0x36: {  	[tilespmem:s17+$0x77C0] =	vst v0  }
0x37: {  	[tilespmem:s17+$0x77D0] =	vst v0  }
0x38: {  	[tilespmem:s17+$0x77E0] =	vst v0  }
0x39: {  	[tilespmem:$0x9E80] =	vst v0  }
0x3a: {  	_ =	swait.ge [sflag:s11], $0x5000  }
.Ltmp3:
0x3b: {  	[sflag:s11] =	ssyncset.done $0x0;
	(pc) =	sbr.rel @p0 .LBB2_4-.Ltmp3, $4  }
0x3c: {  	[sflag:s11] =	ssyncadd.s32 $0xFFFFB000  }
0x3d: {  	_ =	swait.ge [sflag:s11], $0x2780  }
0x3e: {  	[sflag:s11] =	ssyncset.done $0x0  }
0x3f: {  	[sflag:s11] =	ssyncadd.s32 $0xFFFFD880  }
0x40: {  	s17 =	sand.u32 $0xFFFFFF00, s8  }
0x41: {  	v1 =	vld [tilespmem:s17+$0x40];
	_ =	sdelay $0x4  }
0x42: {  	v2 =	vld [tilespmem:s9+$0x40];
	_ =	sdelay $0x1  }
0x43: {  	v3 =	vld [tilespmem:s9+$0xFFFFFF90]  }
0x44: {  	v1 =	vld.idx.msk [tilespmem:v1+s10+$0x0], $0xffff  }
0x45: {  	v4 =	vld [tilespmem:s9+$0xFFFFFFA0]  }
0x46: {  	v5 =	vld [tilespmem:s9+$0xFFFFFFB0]  }
0x47: {  	v8 =	vld [tilespmem:s9+$0xFFFFFFD0]  }
0x48: {  	v9 =	vld [tilespmem:s9+$0xFFFFFFE0]  }
0x49: {  	[tilespmem:v2+s12+$0x0] =	vst.idx.add.f32.msk $0xffff, v1  }
0x4a: {  	v2 =	vld [tilespmem:s9+$0xFFFFFF80]  }
0x4b: {  	v10 =	vld [tilespmem:s9+$0xFFFFFFF0]  }
0x4c: {  	v13 =	vld [tilespmem:s9+$0x0]  }
0x4d: {  	v11 =	vld [tilespmem:s9+$0x10]  }
0x4e: {  	v12 =	vld [tilespmem:s9+$0x20]  }
0x4f: {  	v6 =	vld.idx.msk [tilespmem:v3+s10+$0x0], $0xffff  }
0x50: {  	v7 =	vld.idx.msk [tilespmem:v4+s10+$0x0], $0xffff  }
0x51: {  	v3 =	vld.idx.msk [tilespmem:v5+s10+$0x0], $0xffff  }
0x52: {  	v14 =	vld.idx.msk [tilespmem:v2+s10+$0x0], $0xffff  }
0x53: {  	v2 =	vld [tilespmem:s9+$0x70]  }
0x54: {  	v4 =	vld.idx.msk [tilespmem:v8+s10+$0x0], $0xffff  }
0x55: {  	p2 =	sgt.s32 s5, $0x80;
	v5 =	vld.idx.msk [tilespmem:v9+s10+$0x0], $0xffff  }
.Ltmp4:
0x56: {  	v1 =	vld.idx.msk [tilespmem:v10+s10+$0x0], $0xffff;
	(pc) =	sbr.rel @!p2 .LBB2_7-.Ltmp4, $4  }
0x57: {  	v8 =	vld [tilespmem:s9+$0x30]  }
0x58: {  	v9 =	vld [tilespmem:s9+$0x50]  }
0x59: {  	v10 =	vld [tilespmem:s9+$0x60]  }
0x5a: {  	s19 =	sadd.s32 $0x100, s8;
	p1 =	por $0x0, $0x0;
	[tilespmem:v13+s12+$0x0] =	vst.idx.add.f32.msk $0xffff, v14  }
0x5b: {  	_ =	sdelay $0x3  }
0x5c: {  	[tilespmem:v11+s12+$0x0] =	vst.idx.add.f32.msk $0xffff, v6  }
0x5d: {  	s17 =	sand.u32 $0xFFFFFF00, s19;
	[tilespmem:v12+s12+$0x0] =	vst.idx.add.f32.msk $0xffff, v7  }
0x5e: {  	v13 =	vld [tilespmem:s17+$0x40]  }
0x5f: {  	[tilespmem:v8+s12+$0x0] =	vst.idx.add.f32.msk $0xffff, v3  }
0x60: {  	s17 =	sadd.s32 $0x100, s9;
	[tilespmem:v9+s12+$0x0] =	vst.idx.add.f32.msk $0xffff, v4  }
0x61: {  	v3 =	vld [tilespmem:s17+$0x40]  }
0x62: {  	v4 =	vld [tilespmem:s17+$0xFFFFFF90]  }
0x63: {  	v7 =	vld [tilespmem:s17+$0xFFFFFFA0]  }
0x64: {  	v8 =	vld [tilespmem:s17+$0xFFFFFFB0]  }
0x65: {  	v9 =	vld [tilespmem:s17+$0xFFFFFFD0]  }
0x66: {  	v11 =	vld [tilespmem:s17+$0xFFFFFFF0]  }
0x67: {  	v12 =	vld [tilespmem:s17+$0xFFFFFF80]  }
0x68: {  	v15 =	vld [tilespmem:s17+$0x0]  }
0x69: {  	v14 =	vld [tilespmem:s17+$0x70]  }
0x6a: {  	[tilespmem:v10+s12+$0x0] =	vst.idx.add.f32.msk $0xffff, v5  }
0x6b: {  	v10 =	vld [tilespmem:s17+$0xFFFFFFE0]  }
0x6c: {  	v5 =	vld.idx.msk [tilespmem:v13+s10+$0x0], $0xffff  }
0x6d: {  	v6 =	vld.idx.msk [tilespmem:v4+s10+$0x0], $0xffff  }
0x6e: {  	v7 =	vld.idx.msk [tilespmem:v7+s10+$0x0], $0xffff  }
0x6f: {  	v4 =	vld.idx.msk [tilespmem:v9+s10+$0x0], $0xffff  }
0x70: {  	v13 =	vld.idx.msk [tilespmem:v11+s10+$0x0], $0xffff  }
0x71: {  	v16 =	vld.idx.msk [tilespmem:v12+s10+$0x0], $0xffff  }
0x72: {  	v11 =	vld [tilespmem:s17+$0x10]  }
0x73: {  	v12 =	vld [tilespmem:s17+$0x20]  }
0x74: {  	v9 =	vld [tilespmem:s17+$0x50]  }
0x75: {  	p2 =	sgt.s32 s5, $0x100;
	[tilespmem:v3+s12+$0x0] =	vst.idx.add.f32.msk $0xffff, v5  }
.Ltmp5:
0x76: {  	v3 =	vld.idx.msk [tilespmem:v8+s10+$0x0], $0xffff;
	(pc) =	sbr.rel @!p2 .LBB2_9-.Ltmp5, $4  }
0x77: {  	v8 =	vld [tilespmem:s17+$0x30]  }
0x78: {  	v5 =	vld.idx.msk [tilespmem:v10+s10+$0x0], $0xffff  }
0x79: {  	v10 =	vld [tilespmem:s17+$0x60]  }
0x7a: {  	s18 =	simm.s32 $0x100;
	s19 =	sadd.s32 $0x100, s19;
	p1 =	por $0x1, $0x1;
	[tilespmem:v15+s12+$0x0] =	vst.idx.add.f32.msk $0xffff, v16  }
.LBB2_10:
0x7b: {  	s20 =	sand.u32 $0xFFFFFF00, s19;
	s18 =	sadd.s32 $0x80, s18;
	[tilespmem:v2+s12+$0x0] =	vst.idx.add.f32.msk $0xffff, v1;
	v1 =	vmov v13  }
0x7c: {  	v13 =	vld [tilespmem:s20+$0x40];
	p2 =	slt.s32 s18, s5  }
0x7d: {  	[tilespmem:v11+s12+$0x0] =	vst.idx.add.f32.msk $0xffff, v6  }
0x7e: {  	[tilespmem:v12+s12+$0x0] =	vst.idx.add.f32.msk $0xffff, v7;
	v2 =	vmov v14  }
0x7f: {  	[tilespmem:v8+s12+$0x0] =	vst.idx.add.f32.msk $0xffff, v3  }
0x80: {  	[tilespmem:v9+s12+$0x0] =	vst.idx.add.f32.msk $0xffff, v4  }
0x81: {  	s17 =	sadd.s32 $0x100, s17;
	[tilespmem:v10+s12+$0x0] =	vst.idx.add.f32.msk $0xffff, v5  }
0x82: {  	v3 =	vld [tilespmem:s17+$0x40]  }
0x83: {  	v4 =	vld [tilespmem:s17+$0xFFFFFF90]  }
0x84: {  	v5 =	vld.idx.msk [tilespmem:v13+s10+$0x0], $0xffff  }
0x85: {  	v7 =	vld [tilespmem:s17+$0xFFFFFFA0]  }
0x86: {  	v8 =	vld [tilespmem:s17+$0xFFFFFFB0]  }
0x87: {  	v9 =	vld [tilespmem:s17+$0xFFFFFFD0]  }
0x88: {  	v10 =	vld [tilespmem:s17+$0xFFFFFFE0]  }
0x89: {  	v11 =	vld [tilespmem:s17+$0xFFFFFFF0]  }
0x8a: {  	[tilespmem:v3+s12+$0x0] =	vst.idx.add.f32.msk $0xffff, v5  }
0x8b: {  	v12 =	vld [tilespmem:s17+$0xFFFFFF80]  }
0x8c: {  	v6 =	vld.idx.msk [tilespmem:v4+s10+$0x0], $0xffff  }
0x8d: {  	v7 =	vld.idx.msk [tilespmem:v7+s10+$0x0], $0xffff  }
0x8e: {  	v3 =	vld.idx.msk [tilespmem:v8+s10+$0x0], $0xffff  }
0x8f: {  	v4 =	vld.idx.msk [tilespmem:v9+s10+$0x0], $0xffff  }
0x90: {  	v5 =	vld.idx.msk [tilespmem:v10+s10+$0x0], $0xffff  }
0x91: {  	v13 =	vld.idx.msk [tilespmem:v11+s10+$0x0], $0xffff  }
0x92: {  	v15 =	vld [tilespmem:s17+$0x0]  }
0x93: {  	v16 =	vld.idx.msk [tilespmem:v12+s10+$0x0], $0xffff  }
0x94: {  	v11 =	vld [tilespmem:s17+$0x10]  }
0x95: {  	v12 =	vld [tilespmem:s17+$0x20]  }
.Ltmp6:
0x96: {  	v8 =	vld [tilespmem:s17+$0x30];
	(pc) =	sbr.rel @p2 .LBB2_10-.Ltmp6, $4  }
0x97: {  	v9 =	vld [tilespmem:s17+$0x50]  }
0x98: {  	v10 =	vld [tilespmem:s17+$0x60]  }
0x99: {  	v14 =	vld [tilespmem:s17+$0x70]  }
0x9a: {  	s19 =	sadd.s32 $0x100, s19;
	[tilespmem:v15+s12+$0x0] =	vst.idx.add.f32.msk $0xffff, v16  }
.Ltmp7:
0x9b: {  	(pc) =	sbr.rel .LBB2_12-.Ltmp7, $2  }
0x9c: {  	_ =	sdelay $0x2  }
0x9d: {  	v15 =	vmovc v1;
	v16 =	vmov v2;
	v1 =	vmov v13;
	v2 =	vmov v14  }
.LBB2_9:
.Ltmp8:
0x9e: {  	(pc) =	sbr.rel .LBB2_12-.Ltmp8, $2  }
0x9f: {  	_ =	sdelay $0x2  }
0xa0: {  	v15 =	vmovc v1;
	v16 =	vmov v2;
	v1 =	vmov v13;
	v2 =	vmov v14  }
.LBB2_5:
0xa1: {  	_ =	sfence.sel $0x180000  }
0xa2: {  	[bflag:$0x0] =	sbarrier.arrive $0xFFFF  }
0xa3: {  	p0 =	sne.s32 s1, $0x0;
	_ =	strace $0x9000004A  }
0xa4: {  	s0 =	sadd.s32 @!p0 $0x100000, s0;
	[bflag:$0x2] =	sbarrier.arrive $0xFFFF  }
0xa5: {  	[sflag:s0] =	ssyncadd.tile.s32 @!p0 $0x1;
	_ =	shalt  }
.Lfunc_end2:
_tile_overlayer_lowered:
.L_overlay_start_2:
0xa6: {  	(tag) =	ssettag $0x2  }
0xa7: {  	s0 =	rddreg [dreg:$0x0];
	s2 =	stileid.u32  }
0xa8: {  	s1 =	rddreg [dreg:$0x1];
	p0 =	sne.s32 s2, $0x0  }
0xa9: {  	s3 =	rddreg [dreg:$0x2];
	[bflag:$0x3] =	sbarrier.arrive $0xFFFF;
	s2 =	simm.s32 @!p0 $0x1C02  }
0xaa: {  	[timem:s3], [sflag:s2] =	dma.local @!p0 [hbm:s0], s1  }
0xab: {  	s0 =	simm.s32 @!p0 $0x2  }
0xac: {  	_ =	swait.ge @!p0 [sflag:s0], s1  }
0xad: {  	s1 =	ssub.s32 @!p0 $0x0, s1;
	[sflag:s0] =	ssyncset.done @!p0 $0x0  }
0xae: {  	[sflag:s0] =	ssyncadd.s32 @!p0 s1  }
0xaf: {  	[bflag:$0x3] =	sbarrier.arrive $0xFFFF  }
0xb0: {  	_ =	shalt  }

// kernel: kernel.7.cloned.1.call-start
scs
__scs_entry_jumppad:
0x0: {  	(pc) =	sbr.rel $0x88, $3  }
0x1: {  	(tag) =	ssettag $0x0;
	lr =	simm.s32 $0x1  }
0x2: {  	[smem:$0x3F9B] =	sst lr;
	_ =	strace $0xD0000000  }
0x3: {  	_ = 	snop  }
0x4: {  	_ = 	snop  }
0x5: {  	_ = 	snop  }
0x6: {  	_ = 	snop  }
0x7: {  	_ = 	snop  }
__scs_overlays_trampoline_lowered:
0x8: {  	[smem:$0x3FAA] =	sst s0  }
0x9: {  	[smem:$0x3FAB] =	sst s1  }
0xa: {  	[smem:$0x3FAC] =	sst s2  }
0xb: {  	[smem:$0x3FAD] =	sst s3  }
0xc: {  	[smem:$0x3FAE] =	sst s4  }
0xd: {  	[smem:$0x3FAF] =	sst s5  }
0xe: {  	[smem:$0x3FB0] =	sst s6  }
0xf: {  	[smem:$0x3FB1] =	sst s7  }
0x10: {  	[smem:$0x3FB2] =	sst s8  }
0x11: {  	[smem:$0x3FB3] =	sst s9;
	s0 =	simm.s32 @!p0 $0x0  }
0x12: {  	s1 =	sld [smem:$0x3F99];
	s0 =	simm.s32 @p0 $0x1  }
0x13: {  	[smem:$0x3FB4] =	sst s0;
	s0 =	simm.s32 @!p1 $0x0  }
0x14: {  	s2 =	sld [smem:$0x3F98];
	s0 =	simm.s32 @p1 $0x1  }
0x15: {  	[smem:$0x3FB5] =	sst s0;
	s0 =	simm.s32 @!p2 $0x0  }
0x16: {  	s3 =	sld [smem:$0x3FDB];
	s0 =	simm.s32 @p2 $0x1  }
0x17: {  	s4 =	simm.s32 $0x1BF5;
	[smem:$0x3FB7] =	sst s0  }
0x18: {  	s0 =	sld [smem:$0x3F9A];
	_ =	swait.ge [sflag:s4], $0x0  }
0x19: {  	s7 =	sld [smem:$0x3F9B]  }
0x1a: {  	s8 =	sadd.s32 $0xFFFFE003, lr  }
0x1b: {  	s9 =	sadd.s32 $0xFFFFFEF7, lr;
	s5 =	simm.s32 $0xFFFFFFFF;
	p2 =	slt.u32 s8, $0xFFFFF086  }
0x1c: {  	p1 =	slt.u32 s9, $0xF7A;
	s5 =	simm.s32 @!p2 $0x0  }
0x1d: {  	s5 =	simm.s32 @p1 $0x1;
	p0 =	seq.s32 s7, s2  }
0x1e: {  	s7 =	smul.u32 @!p0 $0xF7A, s2;
	p2 =	seq.s32 @!p0 s5, $0x0  }
0x1f: {  	s9 =	smul.u32 $0xF7A, s1;
	s8 =	simm.s32 @!p0 $0x1BF5;
	p2 =	por !p2, p0  }
0x20: {  	[sflag:s8] =	ssyncset.s32 @!p0 $0xFFFFF086;
	s6 =	sadd.s32 @!p0 s3, s7;
	s7 =	simm.s32 @!p0 $0x108  }
0x21: {  	s3 =	sadd.s32 s3, s9;
	s6 =	sadd.s32 @!p0 $0x88, s6;
	s7 =	simm.s32 @p2 $0x1082  }
0x22: {  	[simem:s7], [sflag:s8] =	dma.local @!p0 [hbm:s6], $0xF7A  }
0x23: {  	s9 =	sor.u32 $0xD0000000, s2;
	s6 =	simm.s32 $0x108;
	_ =	swait.ge @!p0 [sflag:s8], $0x0  }
0x24: {  	s3 =	sadd.s32 $0x88, s3;
	s6 =	simm.s32 @!p1 $0x1082;
	[sflag:s4] =	ssyncset.s32 $0xFFFFF086  }
0x25: {  	[simem:s6], [sflag:s4] =	dma.local [hbm:s3], $0xF7A  }
0x26: {  	[smem:$0x3F9B] =	sst s1;
	(tag) =	ssettag s2;
	_ =	strace s9  }
0x27: {  	s1 =	sld [smem:$0x3FAB]  }
0x28: {  	s2 =	sld [smem:$0x3FAC]  }
0x29: {  	s4 =	sld [smem:$0x3FAE]  }
0x2a: {  	p0 =	seq.s32 s5, $0x0;
	s5 =	sld [smem:$0x3FAF]  }
0x2b: {  	s6 =	sld [smem:$0x3FB0]  }
0x2c: {  	s7 =	sld [smem:$0x3FB1]  }
0x2d: {  	s3 =	simm.s32 $0x108;
	s8 =	sld [smem:$0x3FB2]  }
0x2e: {  	s3 =	simm.s32 @!p0 $0x1082;
	s9 =	sld [smem:$0x3FB3]  }
0x2f: {  	lr =	sadd.s32 s0, s3;
	s0 =	sld [smem:$0x3FAA]  }
0x30: {  	s3 =	sld [smem:$0x3FAD]  }
0x31: {  	[smem:$0x3FB6] =	sst s10  }
0x32: {  	s10 =	sld [smem:$0x3FB4];
	_ =	sdelay $0x3  }
0x33: {  	p0 =	seq.s32 s10, $0x1;
	s10 =	sld [smem:$0x3FB6];
	_ =	sdelay $0x3  }
0x34: {  	[smem:$0x3FB6] =	sst s10  }
0x35: {  	s10 =	sld [smem:$0x3FB5];
	_ =	sdelay $0x3  }
0x36: {  	p1 =	seq.s32 s10, $0x1;
	s10 =	sld [smem:$0x3FB6];
	_ =	sdelay $0x3  }
0x37: {  	[smem:$0x3FB6] =	sst s10  }
0x38: {  	s10 =	sld [smem:$0x3FB7]  }
0x39: {  	_ = 	snop;
	(pc) =	sbr.ind lr, $3  }
0x3a: {  	_ = 	snop  }
0x3b: {  	_ = 	snop  }
0x3c: {  	p2 =	seq.s32 s10, $0x1;
	s10 =	sld [smem:$0x3FB6]  }
0x3d: {  	_ =	shalt  }
0x3e: {  	_ =	shalt  }
0x3f: {  	_ =	shalt  }
0x40: {  	_ =	shalt  }
0x41: {  	_ =	shalt  }
0x42: {  	_ =	shalt  }
0x43: {  	_ =	shalt  }
0x44: {  	_ =	shalt  }
0x45: {  	_ =	shalt  }
0x46: {  	_ =	shalt  }
0x47: {  	_ =	shalt  }
0x48: {  	_ =	shalt  }
0x49: {  	_ =	shalt  }
0x4a: {  	_ =	shalt  }
0x4b: {  	_ =	shalt  }
0x4c: {  	_ =	shalt  }
0x4d: {  	_ =	shalt  }
0x4e: {  	_ =	shalt  }
0x4f: {  	_ =	shalt  }
0x50: {  	_ =	shalt  }
0x51: {  	_ =	shalt  }
0x52: {  	_ =	shalt  }
0x53: {  	_ =	shalt  }
0x54: {  	_ =	shalt  }
0x55: {  	_ =	shalt  }
0x56: {  	_ =	shalt  }
0x57: {  	_ =	shalt  }
0x58: {  	_ =	shalt  }
0x59: {  	_ =	shalt  }
0x5a: {  	_ =	shalt  }
0x5b: {  	_ =	shalt  }
0x5c: {  	_ =	shalt  }
0x5d: {  	_ =	shalt  }
0x5e: {  	_ =	shalt  }
0x5f: {  	_ =	shalt  }
0x60: {  	_ =	shalt  }
0x61: {  	_ =	shalt  }
0x62: {  	_ =	shalt  }
0x63: {  	_ =	shalt  }
0x64: {  	_ =	shalt  }
0x65: {  	_ =	shalt  }
0x66: {  	_ =	shalt  }
0x67: {  	_ =	shalt  }
0x68: {  	_ =	shalt  }
0x69: {  	_ =	shalt  }
0x6a: {  	_ =	shalt  }
0x6b: {  	_ =	shalt  }
0x6c: {  	_ =	shalt  }
0x6d: {  	_ =	shalt  }
0x6e: {  	_ =	shalt  }
0x6f: {  	_ =	shalt  }
0x70: {  	_ =	shalt  }
0x71: {  	_ =	shalt  }
0x72: {  	_ =	shalt  }
0x73: {  	_ =	shalt  }
0x74: {  	_ =	shalt  }
0x75: {  	_ =	shalt  }
0x76: {  	_ =	shalt  }
0x77: {  	_ =	shalt  }
0x78: {  	_ =	shalt  }
0x79: {  	_ =	shalt  }
0x7a: {  	_ =	shalt  }
0x7b: {  	_ =	shalt  }
0x7c: {  	_ =	shalt  }
0x7d: {  	_ =	shalt  }
0x7e: {  	_ =	shalt  }
0x7f: {  	_ =	shalt  }
0x80: {  	_ =	shalt  }
0x81: {  	_ =	shalt  }
0x82: {  	_ =	shalt  }
0x83: {  	_ =	shalt  }
0x84: {  	_ =	shalt  }
0x85: {  	_ =	shalt  }
0x86: {  	_ =	shalt  }
0x87: {  	_ =	shalt  }
.Lfunc_end0:
.L_simem_size_0:
called_computation_lowered:
.L_overlay_start_0:
0x88: {  	s2 =	sld [smem:$0x3FD9]  }
0x89: {  	s3 =	sld [smem:$0x3FFE];
	_ =	sdelay $0x1  }
0x8a: {  	s1 =	srdreg.scid  }
0x8b: {  	s0 =	sand.u32 $0x1, s1  }
0x8c: {  	s17 =	sshll.u32 s0, $0xA;
	s2 =	sadd.s32 s3, s2  }
0x8d: {  	s2 =	sadd.s32 s2, s17  }
0x8e: {  	[smem:$0x3FC2] =	sst s2  }
0x8f: {  	_ = 	snop  }
0x90: {  	s2 =	sld [smem:$0x3FC8];
	(tm) =	ssettm $0x1  }
0x91: {  	s18 =	sld [smem:$0x3FFB];
	_ =	sdelay $0x3  }
0x92: {  	_ =	strace s18  }
0x93: {  	s3 =	sld [smem:$0x3FFC];
	_ =	sdelay $0x3  }
0x94: {  	_ =	strace s3  }
0x95: {  	s3 =	sld [smem:$0x3FFD];
	_ =	sdelay $0x3  }
0x96: {  	_ =	strace s3  }
0x97: {  	_ =	strace $0x8FFFFFFF  }
0x98: {  	s19 =	sld [smem:$0x3FDB];
	_ =	sdelay $0x1  }
0x99: {  	s4 =	simm.s32 $_scs_section_size  }
0x9a: {  	s5 =	simm.s32 $_size__tile_overlayer_lowered;
	s6 =	simm.s32 $_tile_overlayer_lowered  }
0x9b: {  	s22 =	simm.s32 $0x1BFF;
	s21 =	sshll.u32 s6, $0x1;
	s3 =	sadd.s32 s4, s19  }
0x9c: {  	s7 =	simm.s32 $0x0;
	s20 =	sshll.u32 s5, $0x1;
	s5 =	sadd.s32 s21, s3  }
0x9d: {  	[timem:s7], [sflag:s22] =	dma.local [hbm:s5], s20  }
0x9e: {  	_ =	swait.ge [sflag:s22], s20  }
0x9f: {  	s4 =	ssub.s32 $0x0, s20;
	[sflag:s22] =	ssyncset.done $0x0  }
0xa0: {  	[sflag:s22] =	ssyncadd.s32 s4;
	_ =	sdelay $0x1  }
0xa1: {  	s23 =	simm.s32 $0x1B8B  }
0xa2: {  	_ =	swait.ge [sflag:s23], $0x1  }
0xa3: {  	[sflag:s23] =	ssyncset.done $0x0  }
0xa4: {  	s25 =	simm.s32 $0x1B8E;
	s24 =	sld [smem:$0x3FFE];
	[sflag:s23] =	ssyncadd.s32 $0xFFFFFFFF  }
0xa5: {  	s26 =	simm.s32 $execute0_lowered;
	[smem:$0x3FD2] =	sst s25  }
0xa6: {  	s5 =	sshll.u32 s26, $0x1;
	_ =	strace $0x80000046;
	[dreg:$0x1] =	wrdreg $0xFFFFFFFF  }
0xa7: {  	s28 =	simm.s32 $_size_execute0_lowered;
	s3 =	sadd.s32 s3, s5;
	[dreg:$0x0] =	wrdreg $0x0  }
0xa8: {  	s5 =	sshll.u32 s28, $0x1;
	[dreg:$0x2] =	wrdreg s3  }
0xa9: {  	[dreg:$0x3] =	wrdreg s5  }
0xaa: {  	[dreg:$0x4] =	wrdreg $0xC0  }
0xab: {  	_ =	task [dreg:s7], $0x5FFFF  }
0xac: {  	[dreg:$0x1] =	wrdreg $0xFFFFFFFF  }
0xad: {  	[dreg:$0x0] =	wrdreg $0x60  }
0xae: {  	[dreg:$0x2] =	wrdreg s2  }
0xaf: {  	[dreg:$0x3] =	wrdreg s24  }
0xb0: {  	[dreg:$0x4] =	wrdreg $0x9  }
0xb1: {  	_ =	task.clear_ibuf [dreg:s7], $0x5FFFF;
	_ =	strace $0x90000046  }
0xb2: {  	s29 =	simm.s32 $0x9;
	_ =	strace $0x80000048  }
0xb3: {  	_ =	swait.ge [sflag:s29], $0x1  }
0xb4: {  	[sflag:s29] =	ssyncadd.s32 $0xFFFFFFFF  }
0xb5: {  	_ =	strace $0x90000048  }
0xb6: {  	_ =	sfence  }
0xb7: {  	s30 =	sld [smem:$0x0];
	_ =	sdelay $0x2  }
0xb8: {  	s31 =	sshll.u32 s1, $0xD;
	s1 =	sshrl.u32 s1, $0x2  }
0xb9: {  	s3 =	sand.u32 $0x4000, s31;
	s1 =	sadd.s32 s1, s30  }
0xba: {  	s0 =	sor.u32 s3, s0;
	s1 =	sshll.u32 s1, $0x11  }
0xbb: {  	s0 =	sor.u32 s1, s0  }
0xbc: {  	s0 =	sadd.s32 $0x8F2B, s0  }
0xbd: {  	[sflag:s0] =	ssyncadd.remote.s32 $0x1  }
0xbe: {  	_ =	sfence.sel $0xFFFF  }
0xbf: {  	[dreg:$0x0] =	wrdreg $0xFFFFFFFF;
	(pc) =	sbr.abs _section_cstart, $3  }
0xc0: {  	[dreg:$0x1] =	wrdreg $0xFFFFFFFF  }
0xc1: {  	_ =	task.clear_ibuf [dreg:s7], $0x2FFFF;
	_ =	strace $0x9FFFFFFF  }
0xc2: {  	(tm) =	ssettm $0x7FFFFFFF  }
0xc3: {  	_ =	shalt  }
tec
execute0_lowered:
.L_overlay_start_1:
0x0: {  	(tag) =	ssettag $0x1  }
0x1: {  	s3 =	rddreg [dreg:$0x0]  }
0x2: {  	s4 =	rddreg [dreg:$0x1];
	s2 =	srdreg.scid  }
0x3: {  	s1 =	stileid.u32;
	s0 =	rddreg [dreg:$0x2]  }
0x4: {  	s14 =	simm.s32 $0x0;
	s5 =	sand.u32 $0x1, s2;
	s6 =	sshll.u32 s1, $0x1  }
0x5: {  	s2 =	simm.s32 $0x0;
	s7 =	sshrl.u32 s1, $0x2;
	s9 =	smul.u32 $0x1388, s1  }
0x6: {  	s6 =	sor.u32 s5, s6;
	[smem:$0x7FF] =	sst s2;
	s7 =	smul.u32 $0x13C00, s7  }
0x7: {  	s21 =	ssub.s32 $0x2, s5;
	s5 =	smul.u32 $0x9C4, s5;
	s8 =	sshll.u32 s6, $0x7  }
0x8: {  	_ =	strace $0x80000047;
	s6 =	smul.u32 $0x9C4, s6;
	s10 =	sshrl.u32 s21, $0x1  }
0x9: {  	s8 =	sand.u32 $0x380, s8;
	s5 =	sadd.s32 s5, s9;
	s9 =	simm.s32 $0x1  }
0xa: {  	s7 =	sor.u32 s7, s8;
	s8 =	ssub.s32 s21, s10;
	s22 =	sshrl.u32 s6, $0x5  }
0xb: {  	s6 =	sadd.s32 $0x9C4, s6;
	s25 =	sshrl.u32 s5, $0x5;
	s10 =	simm.s32 $0x5000  }
0xc: {  	s7 =	sshrl.u32 s7, $0x3;
	s23 =	smin.u32 s22, $0x974;
	s6 =	sshrl.u32 s6, $0x5  }
0xd: {  	s11 =	smin.u32 s25, $0x974;
	s12 =	sshll.u32 s25, $0xA;
	s29 =	sshll.u32 s25, $0x8  }
0xe: {  	s7 =	sadd.s32 s7, s4;
	s24 =	sshll.u32 s23, $0x5;
	s26 =	ssub.s32 s6, s22  }
.Ltmp0:
0xf: {  	s13 =	sshll.u32 s11, $0xA;
	s6 =	smax.u32 s8, $0x1;
	(pc) =	sbr.rel .LBB2_1-.Ltmp0, $4  }
0x10: {  	s30 =	sshll.u32 s11, $0x8;
	s11 =	simm.s32 $0x80;
	s3 =	sadd.s32 s3, s24  }
0x11: {  	s4 =	sshll.u32 s26, $0x7;
	s5 =	sadd.s32 $0x2000, s7;
	s28 =	ssub.s32 s12, s13  }
0x12: {  	s7 =	ssub.s32 s29, s30;
	p0 =	slt.s32 s26, $0x1;
	s31 =	sor.u32 $0x340, s28  }
0x13: {  	v0 =	vimm.f32 $0.0e+00;
	v1 =	vimm.f32 $1.000000000e+00;
	s12 =	simm.s32 $0x400;
	s13 =	simm.s32 $0x2;
	s8 =	sshra.s32 s31, $0x2  }
.LBB2_8:
0x14: {  	_ =	sdelay $0x3  }
0x15: {  	[tilespmem:v2+s10+$0x0] =	vst.idx.add.f32.msk $0xffff, v1  }
.LBB2_4:
0x16: {  	s14 =	sadd.s32 $0x1, s14  }
0x17: {  	p1 =	seq.s32 s14, s6  }
.Ltmp1:
0x18: {  	_ = 	snop;
	(pc) =	sbr.rel @p1 .LBB2_5-.Ltmp1, $4  }
0x19: {  	[hbm4b:s5+s11] =	stream.strided.scatter [tilespmem:s10], [sflag:$0x2], $0x2780, s12, s11, $0x38;
	[tilespmem:$0x7780] =	vst v63  }
0x1a: {  	_ =	swait.ge [sflag:s13], $0x2780  }
0x1b: {  	[sflag:s13] =	ssyncset.done $0x0  }
0x1c: {  	[sflag:s13] =	ssyncadd.s32 $0xFFFFD880  }
.LBB2_1:
0x1d: {  	[tilespmem:s2], [sflag:$0x1] =	stream.linear.gather [hbm4b:s3+s2], $0x5000, $0x38;
	[tilespmem:$0x7780] =	vst v63  }
0x1e: {  	s15 =	simm.s32 $0x0;
	s16 =	simm.s32 $0x200  }
.LBB2_2:
0x1f: {  	p1 =	sne.s32 s16, $0x9A00;
	[tilespmem:s15+$0x5070] =	vst v0  }
0x20: {  	[tilespmem:s15+$0x5000] =	vst v0  }
0x21: {  	[tilespmem:s15+$0x5010] =	vst v0  }
.Ltmp2:
0x22: {  	[tilespmem:s15+$0x5020] =	vst v0;
	(pc) =	sbr.rel @p1 .LBB2_2-.Ltmp2, $4  }
0x23: {  	[tilespmem:s15+$0x5030] =	vst v0  }
0x24: {  	[tilespmem:s15+$0x5040] =	vst v0  }
0x25: {  	[tilespmem:s15+$0x5050] =	vst v0  }
0x26: {  	[tilespmem:s15+$0x5060] =	vst v0;
	s15 =	sshra.s32 s16, $0x2;
	s16 =	sadd.s32 $0x200, s16  }
0x27: {  	[tilespmem:s15+$0x5070] =	vst v0  }
0x28: {  	[tilespmem:s15+$0x5000] =	vst v0  }
0x29: {  	[tilespmem:s15+$0x5010] =	vst v0  }
0x2a: {  	[tilespmem:s15+$0x5020] =	vst v0  }
0x2b: {  	[tilespmem:s15+$0x5030] =	vst v0  }
0x2c: {  	[tilespmem:s15+$0x5040] =	vst v0  }
0x2d: {  	[tilespmem:s15+$0x5050] =	vst v0  }
.Ltmp3:
0x2e: {  	[tilespmem:s15+$0x5060] =	vst v0;
	(pc) =	sbr.rel @p0 .LBB2_4-.Ltmp3, $4  }
0x2f: {  	[tilespmem:$0x7700] =	vst v0  }
0x30: {  	_ =	swait.ge [sflag:s9], $0x5000  }
0x31: {  	[sflag:s9] =	ssyncset.done $0x0  }
0x32: {  	[sflag:s9] =	ssyncadd.s32 $0xFFFFB000  }
0x33: {  	v3 =	vld [tilespmem:s8+$0xFFFFFFB0]  }
0x34: {  	v6 =	vld [tilespmem:s8+$0x0]  }
0x35: {  	v7 =	vld [tilespmem:s8+$0xFFFFFFF0]  }
0x36: {  	s15 =	sadd.s32 $0xC0, s7;
	v8 =	vld [tilespmem:s8+$0xFFFFFFE0]  }
0x37: {  	s16 =	sadd.s32 $0xE0, s7;
	v9 =	vld [tilespmem:s8+$0xFFFFFFD0];
	s15 =	sor.u32 $0x60, s15  }
0x38: {  	s31 =	sor.u32 $0x70, s16;
	v4 =	vld [tilespmem:s15+$0x0]  }
0x39: {  	v5 =	vld [tilespmem:s31+$0x0]  }
0x3a: {  	v2 =	vld [tilespmem:s8+$0xFFFFFFC0]  }
0x3b: {  	[tilespmem:v3+s10+$0x0] =	vst.idx.add.f32.msk $0xffff, v1  }
0x3c: {  	p1 =	sgt.s32 s4, $0x80;
	[tilespmem:v6+s10+$0x0] =	vst.idx.add.f32.msk $0xffff, v1  }
.Ltmp4:
0x3d: {  	[tilespmem:v7+s10+$0x0] =	vst.idx.add.f32.msk $0xffff, v1;
	(pc) =	sbr.rel @!p1 .LBB2_8-.Ltmp4, $4  }
0x3e: {  	[tilespmem:v8+s10+$0x0] =	vst.idx.add.f32.msk $0xffff, v1  }
0x3f: {  	[tilespmem:v9+s10+$0x0] =	vst.idx.add.f32.msk $0xffff, v1  }
0x40: {  	[tilespmem:v4+s10+$0x0] =	vst.idx.add.f32.msk $0xffff, v1  }
0x41: {  	s17 =	smov.u32 s8;
	s16 =	sadd.s32 $0x100, s7;
	s15 =	simm.s32 $0x80;
	[tilespmem:v5+s10+$0x0] =	vst.idx.add.f32.msk $0xffff, v1  }
.LBB2_7:
0x42: {  	s18 =	sadd.s32 $0xC0, s16;
	s15 =	sadd.s32 $0x80, s15;
	[tilespmem:v2+s10+$0x0] =	vst.idx.add.f32.msk $0xffff, v1;
	s17 =	sadd.s32 $0x100, s17  }
0x43: {  	s19 =	sadd.s32 $0xE0, s16;
	v3 =	vld [tilespmem:s17+$0xFFFFFFB0];
	s18 =	sor.u32 $0x60, s18;
	p1 =	slt.s32 s15, s4  }
0x44: {  	v4 =	vld [tilespmem:s18+$0x0];
	s18 =	sor.u32 $0x70, s19  }
0x45: {  	v5 =	vld [tilespmem:s18+$0x0]  }
0x46: {  	v6 =	vld [tilespmem:s17+$0x0]  }
0x47: {  	v7 =	vld [tilespmem:s17+$0xFFFFFFF0]  }
0x48: {  	v8 =	vld [tilespmem:s17+$0xFFFFFFE0]  }
0x49: {  	v9 =	vld [tilespmem:s17+$0xFFFFFFD0]  }
0x4a: {  	v2 =	vld [tilespmem:s17+$0xFFFFFFC0]  }
0x4b: {  	[tilespmem:v3+s10+$0x0] =	vst.idx.add.f32.msk $0xffff, v1  }
0x4c: {  	[tilespmem:v4+s10+$0x0] =	vst.idx.add.f32.msk $0xffff, v1  }
.Ltmp5:
0x4d: {  	[tilespmem:v5+s10+$0x0] =	vst.idx.add.f32.msk $0xffff, v1;
	(pc) =	sbr.rel @p1 .LBB2_7-.Ltmp5, $4  }
0x4e: {  	[tilespmem:v6+s10+$0x0] =	vst.idx.add.f32.msk $0xffff, v1  }
0x4f: {  	[tilespmem:v7+s10+$0x0] =	vst.idx.add.f32.msk $0xffff, v1  }
0x50: {  	[tilespmem:v8+s10+$0x0] =	vst.idx.add.f32.msk $0xffff, v1  }
0x51: {  	s16 =	sadd.s32 $0x100, s16;
	[tilespmem:v9+s10+$0x0] =	vst.idx.add.f32.msk $0xffff, v1  }
.Ltmp6:
0x52: {  	_ = 	snop;
	(pc) =	sbr.rel .LBB2_8-.Ltmp6, $1  }
0x53: {  	_ =	sdelay $0x3  }
.LBB2_5:
0x54: {  	_ =	sfence.sel $0x180000  }
0x55: {  	[bflag:$0x0] =	sbarrier.arrive $0xFFFF  }
0x56: {  	p0 =	sne.s32 s1, $0x0;
	_ =	strace $0x90000047  }
0x57: {  	s0 =	sadd.s32 @!p0 $0x100000, s0;
	[bflag:$0x2] =	sbarrier.arrive $0xFFFF  }
0x58: {  	[sflag:s0] =	ssyncadd.tile.s32 @!p0 $0x1;
	_ =	shalt  }
.Lfunc_end2:
_tile_overlayer_lowered:
.L_overlay_start_2:
0x59: {  	(tag) =	ssettag $0x2  }
0x5a: {  	s0 =	rddreg [dreg:$0x0];
	s2 =	stileid.u32  }
0x5b: {  	s1 =	rddreg [dreg:$0x1];
	p0 =	sne.s32 s2, $0x0  }
0x5c: {  	s3 =	rddreg [dreg:$0x2];
	[bflag:$0x3] =	sbarrier.arrive $0xFFFF;
	s2 =	simm.s32 @!p0 $0x1C02  }
0x5d: {  	[timem:s3], [sflag:s2] =	dma.local @!p0 [hbm:s0], s1  }
0x5e: {  	s0 =	simm.s32 @!p0 $0x2  }
0x5f: {  	_ =	swait.ge @!p0 [sflag:s0], s1  }
0x60: {  	s1 =	ssub.s32 @!p0 $0x0, s1;
	[sflag:s0] =	ssyncset.done @!p0 $0x0  }
0x61: {  	[sflag:s0] =	ssyncadd.s32 @!p0 s1  }
0x62: {  	[bflag:$0x3] =	sbarrier.arrive $0xFFFF  }
0x63: {  	_ =	shalt  }

</sc_bundles>
